<compile_context>
chip_gen: v7x
topology: tpu7x:2x2x1
jax: 0.10.2.dev20260603
libtpu: 0.0.44.dev20260713+nightly
codegen_flags: <defaults>
</compile_context>

<pallas_src>
import functools

import jax
import jax.numpy as jnp
from jax import lax
from jax.experimental import pallas as pl
from jax.experimental.pallas import tpu as pltpu
from jax.experimental.pallas import tpu_sc as plsc

_NC = 2
_NS = 16
_NW = _NC * _NS

_KI = 8
_CHUNK = _KI * 128


def _make_gather(num_rows: int, embed_dim: int):
    assert num_rows % (_NW * _CHUNK) == 0
    rows_per_w = num_rows // _NW
    steps = rows_per_w // _CHUNK
    irows_per_w = rows_per_w // 128
    assert steps >= 4 and steps % 2 == 0

    mesh = plsc.VectorSubcoreMesh(core_axis_name="c", subcore_axis_name="s")

    @functools.partial(
        pl.kernel,
        mesh=mesh,
        out_type=jax.ShapeDtypeStruct((num_rows, embed_dim), jnp.float32),
        scratch_types=[
            pltpu.VMEM((_KI, 128), jnp.int32),
            pltpu.VMEM((_KI, 128), jnp.int32),
            pltpu.VMEM((_CHUNK, 32), jnp.float32),
            pltpu.VMEM((_CHUNK, 32), jnp.float32),
            pltpu.SemaphoreType.DMA,
            pltpu.SemaphoreType.DMA,
            pltpu.SemaphoreType.DMA,
            pltpu.SemaphoreType.DMA,
            pltpu.SemaphoreType.DMA,
            pltpu.SemaphoreType.DMA,
        ],
        compiler_params=pltpu.CompilerParams(use_tc_tiling_on_sc=False),
    )
    def gather_kernel(
        ids_hbm, table_hbm, out_hbm,
        idx0, idx1, emb0, emb1,
        i0, i1, g0, g1, s0, s1,
    ):
        wid = lax.axis_index("s") * _NC + lax.axis_index("c")
        row_base = wid * rows_per_w
        irow_base = wid * irows_per_w
        idx_v = (idx0, idx1)
        emb_v = (emb0, emb1)
        isem = (i0, i1)
        gsem = (g0, g1)
        ssem = (s0, s1)

        def idx_copy(i, b):
            return pltpu.make_async_copy(
                ids_hbm.at[pl.ds(irow_base + i * _KI, _KI)],
                idx_v[b],
                isem[b],
            )

        def gather_copy(b, j):
            return pltpu.make_async_copy(
                table_hbm.at[idx_v[b].at[j]],
                emb_v[b].at[pl.ds(j * 128, 128)],
                gsem[b],
            )

        def store_copy(i, b):
            return pltpu.make_async_copy(
                emb_v[b],
                out_hbm.at[pl.ds(row_base + i * _CHUNK, _CHUNK)],
                ssem[b],
            )

        def run_iter(i, b, head, tail1, tail2):
            if not tail1:
                idx_copy(i + 1, 1 - b).wait()
                if not head:
                    store_copy(i - 1, 1 - b).wait()
                for j in range(_KI):
                    gather_copy(1 - b, j).start()
            for j in range(_KI):
                gather_copy(b, j).wait()
            if not (tail1 or tail2):
                idx_copy(i + 2, b).start()
            store_copy(i, b).start()

        idx_copy(0, 0).start()
        idx_copy(0, 0).wait()
        for j in range(_KI):
            gather_copy(0, j).start()
        idx_copy(1, 1).start()

        run_iter(0, 0, head=True, tail1=False, tail2=False)
        run_iter(1, 1, head=False, tail1=False, tail2=False)

        def pair(g, carry):
            i1 = 2 + 2 * g
            run_iter(i1, 0, head=False, tail1=False, tail2=False)
            run_iter(i1 + 1, 1, head=False, tail1=False, tail2=False)
            return carry

        lax.fori_loop(0, (steps - 4) // 2, pair, 0)

        run_iter(steps - 2, 0, head=False, tail1=False, tail2=True)
        run_iter(steps - 1, 1, head=False, tail1=True, tail2=True)
        store_copy(steps - 2, 0).wait()
        store_copy(steps - 1, 1).wait()

    return gather_kernel


def kernel(x, embed_weight):
    batch, seq, feat = x.shape
    num_rows = batch * seq
    embed_dim = embed_weight.shape[1]

    ids = x[..., 0].astype(jnp.int32).reshape(num_rows // 128, 128)
    emb = _make_gather(num_rows, embed_dim)(ids, embed_weight)
    emb = emb.reshape(batch, seq, embed_dim)
    return jnp.concatenate([emb, x[..., 1:]], axis=-1)

# --- scband reference (transcript-rebuilt; emitter-appended) ---
"""Pipeline reference for scband-embed-stations-31542239822433 (READ-ONLY COPY).

The authoritative reference and input builder live on the scoring server;
editing this copy changes nothing except your own understanding.
"""

import jax, jax.numpy as jnp
import numpy as np

NUM_STATIONS = 100000
EMBED_DIM = 32
BATCH = 16384
SEQ = 200
FEAT = 10


def setup_inputs(seed: int = 0) -> dict:
    key = jax.random.key(seed)
    kx, kw = jax.random.split(key)
    # x: channel 0 holds integer station ids (as float), channels 1: are features.
    # Harness fill=randint cast to float32 keeps ids in [0, NUM_STATIONS).
    x = jax.random.randint(kx, (BATCH, SEQ, FEAT), 0, NUM_STATIONS).astype(jnp.float32)
    embed_weight = jax.random.normal(kw, (NUM_STATIONS, EMBED_DIM), dtype=jnp.float32)
    return {"x": x, "embed_weight": embed_weight}


def reference(x, embed_weight):
    station_ids = x[..., 0].astype(jnp.int32)
    emb_station = jnp.take(embed_weight, station_ids, axis=0)
    out = jnp.concatenate([emb_station, x[..., 1:]], axis=-1)
    return out

if __name__ == "__main__":
    import jax
    _d = setup_inputs()
    print(jax.jit(kernel)(*tuple(_d.values())))

</pallas_src>

<mosaic_0001>
#map = affine_map<(d0, d1) -> (0, 0)>
module attributes {stable_mosaic.version = 14 : i64} {
  func.func @gather_kernel(%arg0: i32, %arg1: i32, %arg2: memref<25600x128xi32, #tpu.memory_space<hbm>>, %arg3: memref<100000x32xf32, #tpu.memory_space<hbm>>, %arg4: memref<3276800x32xf32, #tpu.memory_space<hbm>>, %arg5: memref<8x128xi32, #tpu.memory_space<vmem>>, %arg6: memref<8x128xi32, #tpu.memory_space<vmem>>, %arg7: memref<1024x32xf32, #tpu.memory_space<vmem>>, %arg8: memref<1024x32xf32, #tpu.memory_space<vmem>>, %arg9: memref<!tpu.dma_semaphore, #tpu.memory_space<semaphore_mem>>, %arg10: memref<!tpu.dma_semaphore, #tpu.memory_space<semaphore_mem>>, %arg11: memref<!tpu.dma_semaphore, #tpu.memory_space<semaphore_mem>>, %arg12: memref<!tpu.dma_semaphore, #tpu.memory_space<semaphore_mem>>, %arg13: memref<!tpu.dma_semaphore, #tpu.memory_space<semaphore_mem>>, %arg14: memref<!tpu.dma_semaphore, #tpu.memory_space<semaphore_mem>>) attributes {dimension_semantics = [#tpu.dimension_semantics<core_parallel>, #tpu.dimension_semantics<subcore_parallel>], iteration_bounds = array<i64: 2, 16>, scalar_prefetch = 0 : i64, scratch_operands = 10 : i64, tpu.core_type = #tpu.core_type<sc_vector_subcore>, window_params = [{transform_indices = #map}, {transform_indices = #map}, {transform_indices = #map}]} {
    %mul3A = arith.constant 2 : i32
    %mul3A_0 = arith.muli %arg1, %mul3A : i32
    %add3A = arith.addi %mul3A_0, %arg0 : i32
    %mul3A_1 = arith.constant 102400 : i32
    %mul3A_2 = arith.muli %add3A, %mul3A_1 : i32
    %mul3A_3 = arith.constant 800 : i32
    %mul3A_4 = arith.muli %add3A, %mul3A_3 : i32
    %add3A_5 = arith.constant 0 : i32
    %add3A_6 = arith.addi %mul3A_4, %add3A_5 : i32
    %dma_start3A = arith.constant 0 : i32
    %dma_start3A_7 = tpu.memref_slice %arg2[%add3A_6, %dma_start3A] : memref<25600x128xi32, #tpu.memory_space<hbm>> -> memref<8x128xi32, #tpu.memory_space<hbm>>
    %dma_start3A_8 = arith.constant 0 : i32
    %dma_start3A_9 = tpu.memref_slice %arg2[%add3A_6, %dma_start3A_8] : memref<25600x128xi32, #tpu.memory_space<hbm>> -> memref<8x128xi32, #tpu.memory_space<hbm>>
    tpu.enqueue_dma source(%dma_start3A_9 : memref<8x128xi32, #tpu.memory_space<hbm>>) target(%arg5 : memref<8x128xi32, #tpu.memory_space<vmem>>) target_semaphore(%arg9 : memref<!tpu.dma_semaphore, #tpu.memory_space<semaphore_mem>>)
    %add3A_10 = arith.constant 0 : i32
    %add3A_11 = arith.addi %mul3A_4, %add3A_10 : i32
    %dma_wait3A = arith.constant 0 : i32
    %dma_wait3A_12 = tpu.memref_slice %arg2[%add3A_11, %dma_wait3A] : memref<25600x128xi32, #tpu.memory_space<hbm>> -> memref<8x128xi32, #tpu.memory_space<hbm>>
    %dma_wait3A_13 = arith.constant 0 : i32
    %dma_wait3A_14 = tpu.memref_slice %arg2[%add3A_11, %dma_wait3A_13] : memref<25600x128xi32, #tpu.memory_space<hbm>> -> memref<8x128xi32, #tpu.memory_space<hbm>>
    tpu.wait_dma2 semaphore(%arg9 : memref<!tpu.dma_semaphore, #tpu.memory_space<semaphore_mem>>) src(%dma_wait3A_14 : memref<8x128xi32, #tpu.memory_space<hbm>>) dst(%arg5 : memref<8x128xi32, #tpu.memory_space<vmem>>)
    %dma_start3A_15 = arith.constant 0 : i32
    %dma_start3A_16 = arith.constant 0 : i32
    %dma_start3A_17 = arith.constant 0 : i32
    %dma_start3A_18 = tpu.memref_slice %arg7[%dma_start3A_16, %dma_start3A_17] : memref<1024x32xf32, #tpu.memory_space<vmem>> -> memref<128x32xf32, #tpu.memory_space<vmem>>
    %dma_start3A_19 = arith.constant 0 : i32
    %dma_start3A_20 = tpu.memref_slice %arg5[%dma_start3A_15, %dma_start3A_19] : memref<8x128xi32, #tpu.memory_space<vmem>> -> memref<1x128xi32, #tpu.memory_space<vmem>>
    %dma_start3A_21 = tpu.memref_squeeze %dma_start3A_20 : memref<1x128xi32, #tpu.memory_space<vmem>> -> memref<128xi32, #tpu.memory_space<vmem>>
    %dma_start3A_22 = arith.constant 0 : i32
    %dma_start3A_23 = arith.constant 0 : i32
    %dma_start3A_24 = tpu.memref_slice %arg3[%dma_start3A_22, %dma_start3A_23] : memref<100000x32xf32, #tpu.memory_space<hbm>> -> memref<100000x32xf32, #tpu.memory_space<hbm>>
    tpu.enqueue_indirect_dma source(%dma_start3A_24 : memref<100000x32xf32, #tpu.memory_space<hbm>>) target(%dma_start3A_18 : memref<128x32xf32, #tpu.memory_space<vmem>>) offsets(%dma_start3A_21 : memref<128xi32, #tpu.memory_space<vmem>>) semaphore(%arg11 : memref<!tpu.dma_semaphore, #tpu.memory_space<semaphore_mem>>)
    %dma_start3A_25 = arith.constant 1 : i32
    %dma_start3A_26 = arith.constant 128 : i32
    %dma_start3A_27 = arith.constant 0 : i32
    %dma_start3A_28 = tpu.memref_slice %arg7[%dma_start3A_26, %dma_start3A_27] : memref<1024x32xf32, #tpu.memory_space<vmem>> -> memref<128x32xf32, #tpu.memory_space<vmem>>
    %dma_start3A_29 = arith.constant 0 : i32
    %dma_start3A_30 = tpu.memref_slice %arg5[%dma_start3A_25, %dma_start3A_29] : memref<8x128xi32, #tpu.memory_space<vmem>> -> memref<1x128xi32, #tpu.memory_space<vmem>>
    %dma_start3A_31 = tpu.memref_squeeze %dma_start3A_30 : memref<1x128xi32, #tpu.memory_space<vmem>> -> memref<128xi32, #tpu.memory_space<vmem>>
    %dma_start3A_32 = arith.constant 0 : i32
    %dma_start3A_33 = arith.constant 0 : i32
    %dma_start3A_34 = tpu.memref_slice %arg3[%dma_start3A_32, %dma_start3A_33] : memref<100000x32xf32, #tpu.memory_space<hbm>> -> memref<100000x32xf32, #tpu.memory_space<hbm>>
    tpu.enqueue_indirect_dma source(%dma_start3A_34 : memref<100000x32xf32, #tpu.memory_space<hbm>>) target(%dma_start3A_28 : memref<128x32xf32, #tpu.memory_space<vmem>>) offsets(%dma_start3A_31 : memref<128xi32, #tpu.memory_space<vmem>>) semaphore(%arg11 : memref<!tpu.dma_semaphore, #tpu.memory_space<semaphore_mem>>)
    %dma_start3A_35 = arith.constant 2 : i32
    %dma_start3A_36 = arith.constant 256 : i32
    %dma_start3A_37 = arith.constant 0 : i32
    %dma_start3A_38 = tpu.memref_slice %arg7[%dma_start3A_36, %dma_start3A_37] : memref<1024x32xf32, #tpu.memory_space<vmem>> -> memref<128x32xf32, #tpu.memory_space<vmem>>
    %dma_start3A_39 = arith.constant 0 : i32
    %dma_start3A_40 = tpu.memref_slice %arg5[%dma_start3A_35, %dma_start3A_39] : memref<8x128xi32, #tpu.memory_space<vmem>> -> memref<1x128xi32, #tpu.memory_space<vmem>>
    %dma_start3A_41 = tpu.memref_squeeze %dma_start3A_40 : memref<1x128xi32, #tpu.memory_space<vmem>> -> memref<128xi32, #tpu.memory_space<vmem>>
    %dma_start3A_42 = arith.constant 0 : i32
    %dma_start3A_43 = arith.constant 0 : i32
    %dma_start3A_44 = tpu.memref_slice %arg3[%dma_start3A_42, %dma_start3A_43] : memref<100000x32xf32, #tpu.memory_space<hbm>> -> memref<100000x32xf32, #tpu.memory_space<hbm>>
    tpu.enqueue_indirect_dma source(%dma_start3A_44 : memref<100000x32xf32, #tpu.memory_space<hbm>>) target(%dma_start3A_38 : memref<128x32xf32, #tpu.memory_space<vmem>>) offsets(%dma_start3A_41 : memref<128xi32, #tpu.memory_space<vmem>>) semaphore(%arg11 : memref<!tpu.dma_semaphore, #tpu.memory_space<semaphore_mem>>)
    %dma_start3A_45 = arith.constant 3 : i32
    %dma_start3A_46 = arith.constant 384 : i32
    %dma_start3A_47 = arith.constant 0 : i32
    %dma_start3A_48 = tpu.memref_slice %arg7[%dma_start3A_46, %dma_start3A_47] : memref<1024x32xf32, #tpu.memory_space<vmem>> -> memref<128x32xf32, #tpu.memory_space<vmem>>
    %dma_start3A_49 = arith.constant 0 : i32
    %dma_start3A_50 = tpu.memref_slice %arg5[%dma_start3A_45, %dma_start3A_49] : memref<8x128xi32, #tpu.memory_space<vmem>> -> memref<1x128xi32, #tpu.memory_space<vmem>>
    %dma_start3A_51 = tpu.memref_squeeze %dma_start3A_50 : memref<1x128xi32, #tpu.memory_space<vmem>> -> memref<128xi32, #tpu.memory_space<vmem>>
    %dma_start3A_52 = arith.constant 0 : i32
    %dma_start3A_53 = arith.constant 0 : i32
    %dma_start3A_54 = tpu.memref_slice %arg3[%dma_start3A_52, %dma_start3A_53] : memref<100000x32xf32, #tpu.memory_space<hbm>> -> memref<100000x32xf32, #tpu.memory_space<hbm>>
    tpu.enqueue_indirect_dma source(%dma_start3A_54 : memref<100000x32xf32, #tpu.memory_space<hbm>>) target(%dma_start3A_48 : memref<128x32xf32, #tpu.memory_space<vmem>>) offsets(%dma_start3A_51 : memref<128xi32, #tpu.memory_space<vmem>>) semaphore(%arg11 : memref<!tpu.dma_semaphore, #tpu.memory_space<semaphore_mem>>)
    %dma_start3A_55 = arith.constant 4 : i32
    %dma_start3A_56 = arith.constant 512 : i32
    %dma_start3A_57 = arith.constant 0 : i32
    %dma_start3A_58 = tpu.memref_slice %arg7[%dma_start3A_56, %dma_start3A_57] : memref<1024x32xf32, #tpu.memory_space<vmem>> -> memref<128x32xf32, #tpu.memory_space<vmem>>
    %dma_start3A_59 = arith.constant 0 : i32
    %dma_start3A_60 = tpu.memref_slice %arg5[%dma_start3A_55, %dma_start3A_59] : memref<8x128xi32, #tpu.memory_space<vmem>> -> memref<1x128xi32, #tpu.memory_space<vmem>>
    %dma_start3A_61 = tpu.memref_squeeze %dma_start3A_60 : memref<1x128xi32, #tpu.memory_space<vmem>> -> memref<128xi32, #tpu.memory_space<vmem>>
    %dma_start3A_62 = arith.constant 0 : i32
    %dma_start3A_63 = arith.constant 0 : i32
    %dma_start3A_64 = tpu.memref_slice %arg3[%dma_start3A_62, %dma_start3A_63] : memref<100000x32xf32, #tpu.memory_space<hbm>> -> memref<100000x32xf32, #tpu.memory_space<hbm>>
    tpu.enqueue_indirect_dma source(%dma_start3A_64 : memref<100000x32xf32, #tpu.memory_space<hbm>>) target(%dma_start3A_58 : memref<128x32xf32, #tpu.memory_space<vmem>>) offsets(%dma_start3A_61 : memref<128xi32, #tpu.memory_space<vmem>>) semaphore(%arg11 : memref<!tpu.dma_semaphore, #tpu.memory_space<semaphore_mem>>)
    %dma_start3A_65 = arith.constant 5 : i32
    %dma_start3A_66 = arith.constant 640 : i32
    %dma_start3A_67 = arith.constant 0 : i32
    %dma_start3A_68 = tpu.memref_slice %arg7[%dma_start3A_66, %dma_start3A_67] : memref<1024x32xf32, #tpu.memory_space<vmem>> -> memref<128x32xf32, #tpu.memory_space<vmem>>
    %dma_start3A_69 = arith.constant 0 : i32
    %dma_start3A_70 = tpu.memref_slice %arg5[%dma_start3A_65, %dma_start3A_69] : memref<8x128xi32, #tpu.memory_space<vmem>> -> memref<1x128xi32, #tpu.memory_space<vmem>>
    %dma_start3A_71 = tpu.memref_squeeze %dma_start3A_70 : memref<1x128xi32, #tpu.memory_space<vmem>> -> memref<128xi32, #tpu.memory_space<vmem>>
    %dma_start3A_72 = arith.constant 0 : i32
    %dma_start3A_73 = arith.constant 0 : i32
    %dma_start3A_74 = tpu.memref_slice %arg3[%dma_start3A_72, %dma_start3A_73] : memref<100000x32xf32, #tpu.memory_space<hbm>> -> memref<100000x32xf32, #tpu.memory_space<hbm>>
    tpu.enqueue_indirect_dma source(%dma_start3A_74 : memref<100000x32xf32, #tpu.memory_space<hbm>>) target(%dma_start3A_68 : memref<128x32xf32, #tpu.memory_space<vmem>>) offsets(%dma_start3A_71 : memref<128xi32, #tpu.memory_space<vmem>>) semaphore(%arg11 : memref<!tpu.dma_semaphore, #tpu.memory_space<semaphore_mem>>)
    %dma_start3A_75 = arith.constant 6 : i32
    %dma_start3A_76 = arith.constant 768 : i32
    %dma_start3A_77 = arith.constant 0 : i32
    %dma_start3A_78 = tpu.memref_slice %arg7[%dma_start3A_76, %dma_start3A_77] : memref<1024x32xf32, #tpu.memory_space<vmem>> -> memref<128x32xf32, #tpu.memory_space<vmem>>
    %dma_start3A_79 = arith.constant 0 : i32
    %dma_start3A_80 = tpu.memref_slice %arg5[%dma_start3A_75, %dma_start3A_79] : memref<8x128xi32, #tpu.memory_space<vmem>> -> memref<1x128xi32, #tpu.memory_space<vmem>>
    %dma_start3A_81 = tpu.memref_squeeze %dma_start3A_80 : memref<1x128xi32, #tpu.memory_space<vmem>> -> memref<128xi32, #tpu.memory_space<vmem>>
    %dma_start3A_82 = arith.constant 0 : i32
    %dma_start3A_83 = arith.constant 0 : i32
    %dma_start3A_84 = tpu.memref_slice %arg3[%dma_start3A_82, %dma_start3A_83] : memref<100000x32xf32, #tpu.memory_space<hbm>> -> memref<100000x32xf32, #tpu.memory_space<hbm>>
    tpu.enqueue_indirect_dma source(%dma_start3A_84 : memref<100000x32xf32, #tpu.memory_space<hbm>>) target(%dma_start3A_78 : memref<128x32xf32, #tpu.memory_space<vmem>>) offsets(%dma_start3A_81 : memref<128xi32, #tpu.memory_space<vmem>>) semaphore(%arg11 : memref<!tpu.dma_semaphore, #tpu.memory_space<semaphore_mem>>)
    %dma_start3A_85 = arith.constant 7 : i32
    %dma_start3A_86 = arith.constant 896 : i32
    %dma_start3A_87 = arith.constant 0 : i32
    %dma_start3A_88 = tpu.memref_slice %arg7[%dma_start3A_86, %dma_start3A_87] : memref<1024x32xf32, #tpu.memory_space<vmem>> -> memref<128x32xf32, #tpu.memory_space<vmem>>
    %dma_start3A_89 = arith.constant 0 : i32
    %dma_start3A_90 = tpu.memref_slice %arg5[%dma_start3A_85, %dma_start3A_89] : memref<8x128xi32, #tpu.memory_space<vmem>> -> memref<1x128xi32, #tpu.memory_space<vmem>>
    %dma_start3A_91 = tpu.memref_squeeze %dma_start3A_90 : memref<1x128xi32, #tpu.memory_space<vmem>> -> memref<128xi32, #tpu.memory_space<vmem>>
    %dma_start3A_92 = arith.constant 0 : i32
    %dma_start3A_93 = arith.constant 0 : i32
    %dma_start3A_94 = tpu.memref_slice %arg3[%dma_start3A_92, %dma_start3A_93] : memref<100000x32xf32, #tpu.memory_space<hbm>> -> memref<100000x32xf32, #tpu.memory_space<hbm>>
    tpu.enqueue_indirect_dma source(%dma_start3A_94 : memref<100000x32xf32, #tpu.memory_space<hbm>>) target(%dma_start3A_88 : memref<128x32xf32, #tpu.memory_space<vmem>>) offsets(%dma_start3A_91 : memref<128xi32, #tpu.memory_space<vmem>>) semaphore(%arg11 : memref<!tpu.dma_semaphore, #tpu.memory_space<semaphore_mem>>)
    %add3A_95 = arith.constant 8 : i32
    %add3A_96 = arith.addi %mul3A_4, %add3A_95 : i32
    %dma_start3A_97 = arith.constant 0 : i32
    %dma_start3A_98 = tpu.memref_slice %arg2[%add3A_96, %dma_start3A_97] : memref<25600x128xi32, #tpu.memory_space<hbm>> -> memref<8x128xi32, #tpu.memory_space<hbm>>
    %dma_start3A_99 = arith.constant 0 : i32
    %dma_start3A_100 = tpu.memref_slice %arg2[%add3A_96, %dma_start3A_99] : memref<25600x128xi32, #tpu.memory_space<hbm>> -> memref<8x128xi32, #tpu.memory_space<hbm>>
    tpu.enqueue_dma source(%dma_start3A_100 : memref<8x128xi32, #tpu.memory_space<hbm>>) target(%arg6 : memref<8x128xi32, #tpu.memory_space<vmem>>) target_semaphore(%arg10 : memref<!tpu.dma_semaphore, #tpu.memory_space<semaphore_mem>>)
    %add3A_101 = arith.constant 8 : i32
    %add3A_102 = arith.addi %mul3A_4, %add3A_101 : i32
    %dma_wait3A_103 = arith.constant 0 : i32
    %dma_wait3A_104 = tpu.memref_slice %arg2[%add3A_102, %dma_wait3A_103] : memref<25600x128xi32, #tpu.memory_space<hbm>> -> memref<8x128xi32, #tpu.memory_space<hbm>>
    %dma_wait3A_105 = arith.constant 0 : i32
    %dma_wait3A_106 = tpu.memref_slice %arg2[%add3A_102, %dma_wait3A_105] : memref<25600x128xi32, #tpu.memory_space<hbm>> -> memref<8x128xi32, #tpu.memory_space<hbm>>
    tpu.wait_dma2 semaphore(%arg10 : memref<!tpu.dma_semaphore, #tpu.memory_space<semaphore_mem>>) src(%dma_wait3A_106 : memref<8x128xi32, #tpu.memory_space<hbm>>) dst(%arg6 : memref<8x128xi32, #tpu.memory_space<vmem>>)
    %dma_start3A_107 = arith.constant 0 : i32
    %dma_start3A_108 = arith.constant 0 : i32
    %dma_start3A_109 = arith.constant 0 : i32
    %dma_start3A_110 = tpu.memref_slice %arg8[%dma_start3A_108, %dma_start3A_109] : memref<1024x32xf32, #tpu.memory_space<vmem>> -> memref<128x32xf32, #tpu.memory_space<vmem>>
    %dma_start3A_111 = arith.constant 0 : i32
    %dma_start3A_112 = tpu.memref_slice %arg6[%dma_start3A_107, %dma_start3A_111] : memref<8x128xi32, #tpu.memory_space<vmem>> -> memref<1x128xi32, #tpu.memory_space<vmem>>
    %dma_start3A_113 = tpu.memref_squeeze %dma_start3A_112 : memref<1x128xi32, #tpu.memory_space<vmem>> -> memref<128xi32, #tpu.memory_space<vmem>>
    %dma_start3A_114 = arith.constant 0 : i32
    %dma_start3A_115 = arith.constant 0 : i32
    %dma_start3A_116 = tpu.memref_slice %arg3[%dma_start3A_114, %dma_start3A_115] : memref<100000x32xf32, #tpu.memory_space<hbm>> -> memref<100000x32xf32, #tpu.memory_space<hbm>>
    tpu.enqueue_indirect_dma source(%dma_start3A_116 : memref<100000x32xf32, #tpu.memory_space<hbm>>) target(%dma_start3A_110 : memref<128x32xf32, #tpu.memory_space<vmem>>) offsets(%dma_start3A_113 : memref<128xi32, #tpu.memory_space<vmem>>) semaphore(%arg12 : memref<!tpu.dma_semaphore, #tpu.memory_space<semaphore_mem>>)
    %dma_start3A_117 = arith.constant 1 : i32
    %dma_start3A_118 = arith.constant 128 : i32
    %dma_start3A_119 = arith.constant 0 : i32
    %dma_start3A_120 = tpu.memref_slice %arg8[%dma_start3A_118, %dma_start3A_119] : memref<1024x32xf32, #tpu.memory_space<vmem>> -> memref<128x32xf32, #tpu.memory_space<vmem>>
    %dma_start3A_121 = arith.constant 0 : i32
    %dma_start3A_122 = tpu.memref_slice %arg6[%dma_start3A_117, %dma_start3A_121] : memref<8x128xi32, #tpu.memory_space<vmem>> -> memref<1x128xi32, #tpu.memory_space<vmem>>
    %dma_start3A_123 = tpu.memref_squeeze %dma_start3A_122 : memref<1x128xi32, #tpu.memory_space<vmem>> -> memref<128xi32, #tpu.memory_space<vmem>>
    %dma_start3A_124 = arith.constant 0 : i32
    %dma_start3A_125 = arith.constant 0 : i32
    %dma_start3A_126 = tpu.memref_slice %arg3[%dma_start3A_124, %dma_start3A_125] : memref<100000x32xf32, #tpu.memory_space<hbm>> -> memref<100000x32xf32, #tpu.memory_space<hbm>>
    tpu.enqueue_indirect_dma source(%dma_start3A_126 : memref<100000x32xf32, #tpu.memory_space<hbm>>) target(%dma_start3A_120 : memref<128x32xf32, #tpu.memory_space<vmem>>) offsets(%dma_start3A_123 : memref<128xi32, #tpu.memory_space<vmem>>) semaphore(%arg12 : memref<!tpu.dma_semaphore, #tpu.memory_space<semaphore_mem>>)
    %dma_start3A_127 = arith.constant 2 : i32
    %dma_start3A_128 = arith.constant 256 : i32
    %dma_start3A_129 = arith.constant 0 : i32
    %dma_start3A_130 = tpu.memref_slice %arg8[%dma_start3A_128, %dma_start3A_129] : memref<1024x32xf32, #tpu.memory_space<vmem>> -> memref<128x32xf32, #tpu.memory_space<vmem>>
    %dma_start3A_131 = arith.constant 0 : i32
    %dma_start3A_132 = tpu.memref_slice %arg6[%dma_start3A_127, %dma_start3A_131] : memref<8x128xi32, #tpu.memory_space<vmem>> -> memref<1x128xi32, #tpu.memory_space<vmem>>
    %dma_start3A_133 = tpu.memref_squeeze %dma_start3A_132 : memref<1x128xi32, #tpu.memory_space<vmem>> -> memref<128xi32, #tpu.memory_space<vmem>>
    %dma_start3A_134 = arith.constant 0 : i32
    %dma_start3A_135 = arith.constant 0 : i32
    %dma_start3A_136 = tpu.memref_slice %arg3[%dma_start3A_134, %dma_start3A_135] : memref<100000x32xf32, #tpu.memory_space<hbm>> -> memref<100000x32xf32, #tpu.memory_space<hbm>>
    tpu.enqueue_indirect_dma source(%dma_start3A_136 : memref<100000x32xf32, #tpu.memory_space<hbm>>) target(%dma_start3A_130 : memref<128x32xf32, #tpu.memory_space<vmem>>) offsets(%dma_start3A_133 : memref<128xi32, #tpu.memory_space<vmem>>) semaphore(%arg12 : memref<!tpu.dma_semaphore, #tpu.memory_space<semaphore_mem>>)
    %dma_start3A_137 = arith.constant 3 : i32
    %dma_start3A_138 = arith.constant 384 : i32
    %dma_start3A_139 = arith.constant 0 : i32
    %dma_start3A_140 = tpu.memref_slice %arg8[%dma_start3A_138, %dma_start3A_139] : memref<1024x32xf32, #tpu.memory_space<vmem>> -> memref<128x32xf32, #tpu.memory_space<vmem>>
    %dma_start3A_141 = arith.constant 0 : i32
    %dma_start3A_142 = tpu.memref_slice %arg6[%dma_start3A_137, %dma_start3A_141] : memref<8x128xi32, #tpu.memory_space<vmem>> -> memref<1x128xi32, #tpu.memory_space<vmem>>
    %dma_start3A_143 = tpu.memref_squeeze %dma_start3A_142 : memref<1x128xi32, #tpu.memory_space<vmem>> -> memref<128xi32, #tpu.memory_space<vmem>>
    %dma_start3A_144 = arith.constant 0 : i32
    %dma_start3A_145 = arith.constant 0 : i32
    %dma_start3A_146 = tpu.memref_slice %arg3[%dma_start3A_144, %dma_start3A_145] : memref<100000x32xf32, #tpu.memory_space<hbm>> -> memref<100000x32xf32, #tpu.memory_space<hbm>>
    tpu.enqueue_indirect_dma source(%dma_start3A_146 : memref<100000x32xf32, #tpu.memory_space<hbm>>) target(%dma_start3A_140 : memref<128x32xf32, #tpu.memory_space<vmem>>) offsets(%dma_start3A_143 : memref<128xi32, #tpu.memory_space<vmem>>) semaphore(%arg12 : memref<!tpu.dma_semaphore, #tpu.memory_space<semaphore_mem>>)
    %dma_start3A_147 = arith.constant 4 : i32
    %dma_start3A_148 = arith.constant 512 : i32
    %dma_start3A_149 = arith.constant 0 : i32
    %dma_start3A_150 = tpu.memref_slice %arg8[%dma_start3A_148, %dma_start3A_149] : memref<1024x32xf32, #tpu.memory_space<vmem>> -> memref<128x32xf32, #tpu.memory_space<vmem>>
    %dma_start3A_151 = arith.constant 0 : i32
    %dma_start3A_152 = tpu.memref_slice %arg6[%dma_start3A_147, %dma_start3A_151] : memref<8x128xi32, #tpu.memory_space<vmem>> -> memref<1x128xi32, #tpu.memory_space<vmem>>
    %dma_start3A_153 = tpu.memref_squeeze %dma_start3A_152 : memref<1x128xi32, #tpu.memory_space<vmem>> -> memref<128xi32, #tpu.memory_space<vmem>>
    %dma_start3A_154 = arith.constant 0 : i32
    %dma_start3A_155 = arith.constant 0 : i32
    %dma_start3A_156 = tpu.memref_slice %arg3[%dma_start3A_154, %dma_start3A_155] : memref<100000x32xf32, #tpu.memory_space<hbm>> -> memref<100000x32xf32, #tpu.memory_space<hbm>>
    tpu.enqueue_indirect_dma source(%dma_start3A_156 : memref<100000x32xf32, #tpu.memory_space<hbm>>) target(%dma_start3A_150 : memref<128x32xf32, #tpu.memory_space<vmem>>) offsets(%dma_start3A_153 : memref<128xi32, #tpu.memory_space<vmem>>) semaphore(%arg12 : memref<!tpu.dma_semaphore, #tpu.memory_space<semaphore_mem>>)
    %dma_start3A_157 = arith.constant 5 : i32
    %dma_start3A_158 = arith.constant 640 : i32
    %dma_start3A_159 = arith.constant 0 : i32
    %dma_start3A_160 = tpu.memref_slice %arg8[%dma_start3A_158, %dma_start3A_159] : memref<1024x32xf32, #tpu.memory_space<vmem>> -> memref<128x32xf32, #tpu.memory_space<vmem>>
    %dma_start3A_161 = arith.constant 0 : i32
    %dma_start3A_162 = tpu.memref_slice %arg6[%dma_start3A_157, %dma_start3A_161] : memref<8x128xi32, #tpu.memory_space<vmem>> -> memref<1x128xi32, #tpu.memory_space<vmem>>
    %dma_start3A_163 = tpu.memref_squeeze %dma_start3A_162 : memref<1x128xi32, #tpu.memory_space<vmem>> -> memref<128xi32, #tpu.memory_space<vmem>>
    %dma_start3A_164 = arith.constant 0 : i32
    %dma_start3A_165 = arith.constant 0 : i32
    %dma_start3A_166 = tpu.memref_slice %arg3[%dma_start3A_164, %dma_start3A_165] : memref<100000x32xf32, #tpu.memory_space<hbm>> -> memref<100000x32xf32, #tpu.memory_space<hbm>>
    tpu.enqueue_indirect_dma source(%dma_start3A_166 : memref<100000x32xf32, #tpu.memory_space<hbm>>) target(%dma_start3A_160 : memref<128x32xf32, #tpu.memory_space<vmem>>) offsets(%dma_start3A_163 : memref<128xi32, #tpu.memory_space<vmem>>) semaphore(%arg12 : memref<!tpu.dma_semaphore, #tpu.memory_space<semaphore_mem>>)
    %dma_start3A_167 = arith.constant 6 : i32
    %dma_start3A_168 = arith.constant 768 : i32
    %dma_start3A_169 = arith.constant 0 : i32
    %dma_start3A_170 = tpu.memref_slice %arg8[%dma_start3A_168, %dma_start3A_169] : memref<1024x32xf32, #tpu.memory_space<vmem>> -> memref<128x32xf32, #tpu.memory_space<vmem>>
    %dma_start3A_171 = arith.constant 0 : i32
    %dma_start3A_172 = tpu.memref_slice %arg6[%dma_start3A_167, %dma_start3A_171] : memref<8x128xi32, #tpu.memory_space<vmem>> -> memref<1x128xi32, #tpu.memory_space<vmem>>
    %dma_start3A_173 = tpu.memref_squeeze %dma_start3A_172 : memref<1x128xi32, #tpu.memory_space<vmem>> -> memref<128xi32, #tpu.memory_space<vmem>>
    %dma_start3A_174 = arith.constant 0 : i32
    %dma_start3A_175 = arith.constant 0 : i32
    %dma_start3A_176 = tpu.memref_slice %arg3[%dma_start3A_174, %dma_start3A_175] : memref<100000x32xf32, #tpu.memory_space<hbm>> -> memref<100000x32xf32, #tpu.memory_space<hbm>>
    tpu.enqueue_indirect_dma source(%dma_start3A_176 : memref<100000x32xf32, #tpu.memory_space<hbm>>) target(%dma_start3A_170 : memref<128x32xf32, #tpu.memory_space<vmem>>) offsets(%dma_start3A_173 : memref<128xi32, #tpu.memory_space<vmem>>) semaphore(%arg12 : memref<!tpu.dma_semaphore, #tpu.memory_space<semaphore_mem>>)
    %dma_start3A_177 = arith.constant 7 : i32
    %dma_start3A_178 = arith.constant 896 : i32
    %dma_start3A_179 = arith.constant 0 : i32
    %dma_start3A_180 = tpu.memref_slice %arg8[%dma_start3A_178, %dma_start3A_179] : memref<1024x32xf32, #tpu.memory_space<vmem>> -> memref<128x32xf32, #tpu.memory_space<vmem>>
    %dma_start3A_181 = arith.constant 0 : i32
    %dma_start3A_182 = tpu.memref_slice %arg6[%dma_start3A_177, %dma_start3A_181] : memref<8x128xi32, #tpu.memory_space<vmem>> -> memref<1x128xi32, #tpu.memory_space<vmem>>
    %dma_start3A_183 = tpu.memref_squeeze %dma_start3A_182 : memref<1x128xi32, #tpu.memory_space<vmem>> -> memref<128xi32, #tpu.memory_space<vmem>>
    %dma_start3A_184 = arith.constant 0 : i32
    %dma_start3A_185 = arith.constant 0 : i32
    %dma_start3A_186 = tpu.memref_slice %arg3[%dma_start3A_184, %dma_start3A_185] : memref<100000x32xf32, #tpu.memory_space<hbm>> -> memref<100000x32xf32, #tpu.memory_space<hbm>>
    tpu.enqueue_indirect_dma source(%dma_start3A_186 : memref<100000x32xf32, #tpu.memory_space<hbm>>) target(%dma_start3A_180 : memref<128x32xf32, #tpu.memory_space<vmem>>) offsets(%dma_start3A_183 : memref<128xi32, #tpu.memory_space<vmem>>) semaphore(%arg12 : memref<!tpu.dma_semaphore, #tpu.memory_space<semaphore_mem>>)
    %dma_wait3A_187 = arith.constant 0 : i32
    %dma_wait3A_188 = arith.constant 0 : i32
    %dma_wait3A_189 = arith.constant 0 : i32
    %dma_wait3A_190 = tpu.memref_slice %arg7[%dma_wait3A_188, %dma_wait3A_189] : memref<1024x32xf32, #tpu.memory_space<vmem>> -> memref<128x32xf32, #tpu.memory_space<vmem>>
    %dma_wait3A_191 = arith.constant 0 : i32
    %dma_wait3A_192 = tpu.memref_slice %arg5[%dma_wait3A_187, %dma_wait3A_191] : memref<8x128xi32, #tpu.memory_space<vmem>> -> memref<1x128xi32, #tpu.memory_space<vmem>>
    %dma_wait3A_193 = tpu.memref_squeeze %dma_wait3A_192 : memref<1x128xi32, #tpu.memory_space<vmem>> -> memref<128xi32, #tpu.memory_space<vmem>>
    %dma_wait3A_194 = arith.constant 0 : i32
    %dma_wait3A_195 = arith.constant 0 : i32
    %dma_wait3A_196 = tpu.memref_slice %arg3[%dma_wait3A_194, %dma_wait3A_195] : memref<100000x32xf32, #tpu.memory_space<hbm>> -> memref<100000x32xf32, #tpu.memory_space<hbm>>
    tpu.wait_indirect_dma semaphore(%arg11 : memref<!tpu.dma_semaphore, #tpu.memory_space<semaphore_mem>>) src(%dma_wait3A_196 : memref<100000x32xf32, #tpu.memory_space<hbm>>) dst(%dma_wait3A_190 : memref<128x32xf32, #tpu.memory_space<vmem>>)
    %dma_wait3A_197 = arith.constant 1 : i32
    %dma_wait3A_198 = arith.constant 128 : i32
    %dma_wait3A_199 = arith.constant 0 : i32
    %dma_wait3A_200 = tpu.memref_slice %arg7[%dma_wait3A_198, %dma_wait3A_199] : memref<1024x32xf32, #tpu.memory_space<vmem>> -> memref<128x32xf32, #tpu.memory_space<vmem>>
    %dma_wait3A_201 = arith.constant 0 : i32
    %dma_wait3A_202 = tpu.memref_slice %arg5[%dma_wait3A_197, %dma_wait3A_201] : memref<8x128xi32, #tpu.memory_space<vmem>> -> memref<1x128xi32, #tpu.memory_space<vmem>>
    %dma_wait3A_203 = tpu.memref_squeeze %dma_wait3A_202 : memref<1x128xi32, #tpu.memory_space<vmem>> -> memref<128xi32, #tpu.memory_space<vmem>>
    %dma_wait3A_204 = arith.constant 0 : i32
    %dma_wait3A_205 = arith.constant 0 : i32
    %dma_wait3A_206 = tpu.memref_slice %arg3[%dma_wait3A_204, %dma_wait3A_205] : memref<100000x32xf32, #tpu.memory_space<hbm>> -> memref<100000x32xf32, #tpu.memory_space<hbm>>
    tpu.wait_indirect_dma semaphore(%arg11 : memref<!tpu.dma_semaphore, #tpu.memory_space<semaphore_mem>>) src(%dma_wait3A_206 : memref<100000x32xf32, #tpu.memory_space<hbm>>) dst(%dma_wait3A_200 : memref<128x32xf32, #tpu.memory_space<vmem>>)
    %dma_wait3A_207 = arith.constant 2 : i32
    %dma_wait3A_208 = arith.constant 256 : i32
    %dma_wait3A_209 = arith.constant 0 : i32
    %dma_wait3A_210 = tpu.memref_slice %arg7[%dma_wait3A_208, %dma_wait3A_209] : memref<1024x32xf32, #tpu.memory_space<vmem>> -> memref<128x32xf32, #tpu.memory_space<vmem>>
    %dma_wait3A_211 = arith.constant 0 : i32
    %dma_wait3A_212 = tpu.memref_slice %arg5[%dma_wait3A_207, %dma_wait3A_211] : memref<8x128xi32, #tpu.memory_space<vmem>> -> memref<1x128xi32, #tpu.memory_space<vmem>>
    %dma_wait3A_213 = tpu.memref_squeeze %dma_wait3A_212 : memref<1x128xi32, #tpu.memory_space<vmem>> -> memref<128xi32, #tpu.memory_space<vmem>>
    %dma_wait3A_214 = arith.constant 0 : i32
    %dma_wait3A_215 = arith.constant 0 : i32
    %dma_wait3A_216 = tpu.memref_slice %arg3[%dma_wait3A_214, %dma_wait3A_215] : memref<100000x32xf32, #tpu.memory_space<hbm>> -> memref<100000x32xf32, #tpu.memory_space<hbm>>
    tpu.wait_indirect_dma semaphore(%arg11 : memref<!tpu.dma_semaphore, #tpu.memory_space<semaphore_mem>>) src(%dma_wait3A_216 : memref<100000x32xf32, #tpu.memory_space<hbm>>) dst(%dma_wait3A_210 : memref<128x32xf32, #tpu.memory_space<vmem>>)
    %dma_wait3A_217 = arith.constant 3 : i32
    %dma_wait3A_218 = arith.constant 384 : i32
    %dma_wait3A_219 = arith.constant 0 : i32
    %dma_wait3A_220 = tpu.memref_slice %arg7[%dma_wait3A_218, %dma_wait3A_219] : memref<1024x32xf32, #tpu.memory_space<vmem>> -> memref<128x32xf32, #tpu.memory_space<vmem>>
    %dma_wait3A_221 = arith.constant 0 : i32
    %dma_wait3A_222 = tpu.memref_slice %arg5[%dma_wait3A_217, %dma_wait3A_221] : memref<8x128xi32, #tpu.memory_space<vmem>> -> memref<1x128xi32, #tpu.memory_space<vmem>>
    %dma_wait3A_223 = tpu.memref_squeeze %dma_wait3A_222 : memref<1x128xi32, #tpu.memory_space<vmem>> -> memref<128xi32, #tpu.memory_space<vmem>>
    %dma_wait3A_224 = arith.constant 0 : i32
    %dma_wait3A_225 = arith.constant 0 : i32
    %dma_wait3A_226 = tpu.memref_slice %arg3[%dma_wait3A_224, %dma_wait3A_225] : memref<100000x32xf32, #tpu.memory_space<hbm>> -> memref<100000x32xf32, #tpu.memory_space<hbm>>
    tpu.wait_indirect_dma semaphore(%arg11 : memref<!tpu.dma_semaphore, #tpu.memory_space<semaphore_mem>>) src(%dma_wait3A_226 : memref<100000x32xf32, #tpu.memory_space<hbm>>) dst(%dma_wait3A_220 : memref<128x32xf32, #tpu.memory_space<vmem>>)
    %dma_wait3A_227 = arith.constant 4 : i32
    %dma_wait3A_228 = arith.constant 512 : i32
    %dma_wait3A_229 = arith.constant 0 : i32
    %dma_wait3A_230 = tpu.memref_slice %arg7[%dma_wait3A_228, %dma_wait3A_229] : memref<1024x32xf32, #tpu.memory_space<vmem>> -> memref<128x32xf32, #tpu.memory_space<vmem>>
    %dma_wait3A_231 = arith.constant 0 : i32
    %dma_wait3A_232 = tpu.memref_slice %arg5[%dma_wait3A_227, %dma_wait3A_231] : memref<8x128xi32, #tpu.memory_space<vmem>> -> memref<1x128xi32, #tpu.memory_space<vmem>>
    %dma_wait3A_233 = tpu.memref_squeeze %dma_wait3A_232 : memref<1x128xi32, #tpu.memory_space<vmem>> -> memref<128xi32, #tpu.memory_space<vmem>>
    %dma_wait3A_234 = arith.constant 0 : i32
    %dma_wait3A_235 = arith.constant 0 : i32
    %dma_wait3A_236 = tpu.memref_slice %arg3[%dma_wait3A_234, %dma_wait3A_235] : memref<100000x32xf32, #tpu.memory_space<hbm>> -> memref<100000x32xf32, #tpu.memory_space<hbm>>
    tpu.wait_indirect_dma semaphore(%arg11 : memref<!tpu.dma_semaphore, #tpu.memory_space<semaphore_mem>>) src(%dma_wait3A_236 : memref<100000x32xf32, #tpu.memory_space<hbm>>) dst(%dma_wait3A_230 : memref<128x32xf32, #tpu.memory_space<vmem>>)
    %dma_wait3A_237 = arith.constant 5 : i32
    %dma_wait3A_238 = arith.constant 640 : i32
    %dma_wait3A_239 = arith.constant 0 : i32
    %dma_wait3A_240 = tpu.memref_slice %arg7[%dma_wait3A_238, %dma_wait3A_239] : memref<1024x32xf32, #tpu.memory_space<vmem>> -> memref<128x32xf32, #tpu.memory_space<vmem>>
    %dma_wait3A_241 = arith.constant 0 : i32
    %dma_wait3A_242 = tpu.memref_slice %arg5[%dma_wait3A_237, %dma_wait3A_241] : memref<8x128xi32, #tpu.memory_space<vmem>> -> memref<1x128xi32, #tpu.memory_space<vmem>>
    %dma_wait3A_243 = tpu.memref_squeeze %dma_wait3A_242 : memref<1x128xi32, #tpu.memory_space<vmem>> -> memref<128xi32, #tpu.memory_space<vmem>>
    %dma_wait3A_244 = arith.constant 0 : i32
    %dma_wait3A_245 = arith.constant 0 : i32
    %dma_wait3A_246 = tpu.memref_slice %arg3[%dma_wait3A_244, %dma_wait3A_245] : memref<100000x32xf32, #tpu.memory_space<hbm>> -> memref<100000x32xf32, #tpu.memory_space<hbm>>
    tpu.wait_indirect_dma semaphore(%arg11 : memref<!tpu.dma_semaphore, #tpu.memory_space<semaphore_mem>>) src(%dma_wait3A_246 : memref<100000x32xf32, #tpu.memory_space<hbm>>) dst(%dma_wait3A_240 : memref<128x32xf32, #tpu.memory_space<vmem>>)
    %dma_wait3A_247 = arith.constant 6 : i32
    %dma_wait3A_248 = arith.constant 768 : i32
    %dma_wait3A_249 = arith.constant 0 : i32
    %dma_wait3A_250 = tpu.memref_slice %arg7[%dma_wait3A_248, %dma_wait3A_249] : memref<1024x32xf32, #tpu.memory_space<vmem>> -> memref<128x32xf32, #tpu.memory_space<vmem>>
    %dma_wait3A_251 = arith.constant 0 : i32
    %dma_wait3A_252 = tpu.memref_slice %arg5[%dma_wait3A_247, %dma_wait3A_251] : memref<8x128xi32, #tpu.memory_space<vmem>> -> memref<1x128xi32, #tpu.memory_space<vmem>>
    %dma_wait3A_253 = tpu.memref_squeeze %dma_wait3A_252 : memref<1x128xi32, #tpu.memory_space<vmem>> -> memref<128xi32, #tpu.memory_space<vmem>>
    %dma_wait3A_254 = arith.constant 0 : i32
    %dma_wait3A_255 = arith.constant 0 : i32
    %dma_wait3A_256 = tpu.memref_slice %arg3[%dma_wait3A_254, %dma_wait3A_255] : memref<100000x32xf32, #tpu.memory_space<hbm>> -> memref<100000x32xf32, #tpu.memory_space<hbm>>
    tpu.wait_indirect_dma semaphore(%arg11 : memref<!tpu.dma_semaphore, #tpu.memory_space<semaphore_mem>>) src(%dma_wait3A_256 : memref<100000x32xf32, #tpu.memory_space<hbm>>) dst(%dma_wait3A_250 : memref<128x32xf32, #tpu.memory_space<vmem>>)
    %dma_wait3A_257 = arith.constant 7 : i32
    %dma_wait3A_258 = arith.constant 896 : i32
    %dma_wait3A_259 = arith.constant 0 : i32
    %dma_wait3A_260 = tpu.memref_slice %arg7[%dma_wait3A_258, %dma_wait3A_259] : memref<1024x32xf32, #tpu.memory_space<vmem>> -> memref<128x32xf32, #tpu.memory_space<vmem>>
    %dma_wait3A_261 = arith.constant 0 : i32
    %dma_wait3A_262 = tpu.memref_slice %arg5[%dma_wait3A_257, %dma_wait3A_261] : memref<8x128xi32, #tpu.memory_space<vmem>> -> memref<1x128xi32, #tpu.memory_space<vmem>>
    %dma_wait3A_263 = tpu.memref_squeeze %dma_wait3A_262 : memref<1x128xi32, #tpu.memory_space<vmem>> -> memref<128xi32, #tpu.memory_space<vmem>>
    %dma_wait3A_264 = arith.constant 0 : i32
    %dma_wait3A_265 = arith.constant 0 : i32
    %dma_wait3A_266 = tpu.memref_slice %arg3[%dma_wait3A_264, %dma_wait3A_265] : memref<100000x32xf32, #tpu.memory_space<hbm>> -> memref<100000x32xf32, #tpu.memory_space<hbm>>
    tpu.wait_indirect_dma semaphore(%arg11 : memref<!tpu.dma_semaphore, #tpu.memory_space<semaphore_mem>>) src(%dma_wait3A_266 : memref<100000x32xf32, #tpu.memory_space<hbm>>) dst(%dma_wait3A_260 : memref<128x32xf32, #tpu.memory_space<vmem>>)
    %add3A_267 = arith.constant 16 : i32
    %add3A_268 = arith.addi %mul3A_4, %add3A_267 : i32
    %dma_start3A_269 = arith.constant 0 : i32
    %dma_start3A_270 = tpu.memref_slice %arg2[%add3A_268, %dma_start3A_269] : memref<25600x128xi32, #tpu.memory_space<hbm>> -> memref<8x128xi32, #tpu.memory_space<hbm>>
    %dma_start3A_271 = arith.constant 0 : i32
    %dma_start3A_272 = tpu.memref_slice %arg2[%add3A_268, %dma_start3A_271] : memref<25600x128xi32, #tpu.memory_space<hbm>> -> memref<8x128xi32, #tpu.memory_space<hbm>>
    tpu.enqueue_dma source(%dma_start3A_272 : memref<8x128xi32, #tpu.memory_space<hbm>>) target(%arg5 : memref<8x128xi32, #tpu.memory_space<vmem>>) target_semaphore(%arg9 : memref<!tpu.dma_semaphore, #tpu.memory_space<semaphore_mem>>)
    %add3A_273 = arith.constant 0 : i32
    %add3A_274 = arith.addi %mul3A_2, %add3A_273 : i32
    %dma_start3A_275 = arith.constant 0 : i32
    %dma_start3A_276 = tpu.memref_slice %arg4[%add3A_274, %dma_start3A_275] : memref<3276800x32xf32, #tpu.memory_space<hbm>> -> memref<1024x32xf32, #tpu.memory_space<hbm>>
    %dma_start3A_277 = arith.constant 0 : i32
    %dma_start3A_278 = tpu.memref_slice %arg4[%add3A_274, %dma_start3A_277] : memref<3276800x32xf32, #tpu.memory_space<hbm>> -> memref<1024x32xf32, #tpu.memory_space<hbm>>
    tpu.enqueue_dma source(%arg7 : memref<1024x32xf32, #tpu.memory_space<vmem>>) target(%dma_start3A_278 : memref<1024x32xf32, #tpu.memory_space<hbm>>) target_semaphore(%arg13 : memref<!tpu.dma_semaphore, #tpu.memory_space<semaphore_mem>>)
    %add3A_279 = arith.constant 16 : i32
    %add3A_280 = arith.addi %mul3A_4, %add3A_279 : i32
    %dma_wait3A_281 = arith.constant 0 : i32
    %dma_wait3A_282 = tpu.memref_slice %arg2[%add3A_280, %dma_wait3A_281] : memref<25600x128xi32, #tpu.memory_space<hbm>> -> memref<8x128xi32, #tpu.memory_space<hbm>>
    %dma_wait3A_283 = arith.constant 0 : i32
    %dma_wait3A_284 = tpu.memref_slice %arg2[%add3A_280, %dma_wait3A_283] : memref<25600x128xi32, #tpu.memory_space<hbm>> -> memref<8x128xi32, #tpu.memory_space<hbm>>
    tpu.wait_dma2 semaphore(%arg9 : memref<!tpu.dma_semaphore, #tpu.memory_space<semaphore_mem>>) src(%dma_wait3A_284 : memref<8x128xi32, #tpu.memory_space<hbm>>) dst(%arg5 : memref<8x128xi32, #tpu.memory_space<vmem>>)
    %add3A_285 = arith.constant 0 : i32
    %add3A_286 = arith.addi %mul3A_2, %add3A_285 : i32
    %dma_wait3A_287 = arith.constant 0 : i32
    %dma_wait3A_288 = tpu.memref_slice %arg4[%add3A_286, %dma_wait3A_287] : memref<3276800x32xf32, #tpu.memory_space<hbm>> -> memref<1024x32xf32, #tpu.memory_space<hbm>>
    %dma_wait3A_289 = arith.constant 0 : i32
    %dma_wait3A_290 = tpu.memref_slice %arg4[%add3A_286, %dma_wait3A_289] : memref<3276800x32xf32, #tpu.memory_space<hbm>> -> memref<1024x32xf32, #tpu.memory_space<hbm>>
    tpu.wait_dma2 semaphore(%arg13 : memref<!tpu.dma_semaphore, #tpu.memory_space<semaphore_mem>>) src(%arg7 : memref<1024x32xf32, #tpu.memory_space<vmem>>) dst(%dma_wait3A_290 : memref<1024x32xf32, #tpu.memory_space<hbm>>)
    %dma_start3A_291 = arith.constant 0 : i32
    %dma_start3A_292 = arith.constant 0 : i32
    %dma_start3A_293 = arith.constant 0 : i32
    %dma_start3A_294 = tpu.memref_slice %arg7[%dma_start3A_292, %dma_start3A_293] : memref<1024x32xf32, #tpu.memory_space<vmem>> -> memref<128x32xf32, #tpu.memory_space<vmem>>
    %dma_start3A_295 = arith.constant 0 : i32
    %dma_start3A_296 = tpu.memref_slice %arg5[%dma_start3A_291, %dma_start3A_295] : memref<8x128xi32, #tpu.memory_space<vmem>> -> memref<1x128xi32, #tpu.memory_space<vmem>>
    %dma_start3A_297 = tpu.memref_squeeze %dma_start3A_296 : memref<1x128xi32, #tpu.memory_space<vmem>> -> memref<128xi32, #tpu.memory_space<vmem>>
    %dma_start3A_298 = arith.constant 0 : i32
    %dma_start3A_299 = arith.constant 0 : i32
    %dma_start3A_300 = tpu.memref_slice %arg3[%dma_start3A_298, %dma_start3A_299] : memref<100000x32xf32, #tpu.memory_space<hbm>> -> memref<100000x32xf32, #tpu.memory_space<hbm>>
    tpu.enqueue_indirect_dma source(%dma_start3A_300 : memref<100000x32xf32, #tpu.memory_space<hbm>>) target(%dma_start3A_294 : memref<128x32xf32, #tpu.memory_space<vmem>>) offsets(%dma_start3A_297 : memref<128xi32, #tpu.memory_space<vmem>>) semaphore(%arg11 : memref<!tpu.dma_semaphore, #tpu.memory_space<semaphore_mem>>)
    %dma_start3A_301 = arith.constant 1 : i32
    %dma_start3A_302 = arith.constant 128 : i32
    %dma_start3A_303 = arith.constant 0 : i32
    %dma_start3A_304 = tpu.memref_slice %arg7[%dma_start3A_302, %dma_start3A_303] : memref<1024x32xf32, #tpu.memory_space<vmem>> -> memref<128x32xf32, #tpu.memory_space<vmem>>
    %dma_start3A_305 = arith.constant 0 : i32
    %dma_start3A_306 = tpu.memref_slice %arg5[%dma_start3A_301, %dma_start3A_305] : memref<8x128xi32, #tpu.memory_space<vmem>> -> memref<1x128xi32, #tpu.memory_space<vmem>>
    %dma_start3A_307 = tpu.memref_squeeze %dma_start3A_306 : memref<1x128xi32, #tpu.memory_space<vmem>> -> memref<128xi32, #tpu.memory_space<vmem>>
    %dma_start3A_308 = arith.constant 0 : i32
    %dma_start3A_309 = arith.constant 0 : i32
    %dma_start3A_310 = tpu.memref_slice %arg3[%dma_start3A_308, %dma_start3A_309] : memref<100000x32xf32, #tpu.memory_space<hbm>> -> memref<100000x32xf32, #tpu.memory_space<hbm>>
    tpu.enqueue_indirect_dma source(%dma_start3A_310 : memref<100000x32xf32, #tpu.memory_space<hbm>>) target(%dma_start3A_304 : memref<128x32xf32, #tpu.memory_space<vmem>>) offsets(%dma_start3A_307 : memref<128xi32, #tpu.memory_space<vmem>>) semaphore(%arg11 : memref<!tpu.dma_semaphore, #tpu.memory_space<semaphore_mem>>)
    %dma_start3A_311 = arith.constant 2 : i32
    %dma_start3A_312 = arith.constant 256 : i32
    %dma_start3A_313 = arith.constant 0 : i32
    %dma_start3A_314 = tpu.memref_slice %arg7[%dma_start3A_312, %dma_start3A_313] : memref<1024x32xf32, #tpu.memory_space<vmem>> -> memref<128x32xf32, #tpu.memory_space<vmem>>
    %dma_start3A_315 = arith.constant 0 : i32
    %dma_start3A_316 = tpu.memref_slice %arg5[%dma_start3A_311, %dma_start3A_315] : memref<8x128xi32, #tpu.memory_space<vmem>> -> memref<1x128xi32, #tpu.memory_space<vmem>>
    %dma_start3A_317 = tpu.memref_squeeze %dma_start3A_316 : memref<1x128xi32, #tpu.memory_space<vmem>> -> memref<128xi32, #tpu.memory_space<vmem>>
    %dma_start3A_318 = arith.constant 0 : i32
    %dma_start3A_319 = arith.constant 0 : i32
    %dma_start3A_320 = tpu.memref_slice %arg3[%dma_start3A_318, %dma_start3A_319] : memref<100000x32xf32, #tpu.memory_space<hbm>> -> memref<100000x32xf32, #tpu.memory_space<hbm>>
    tpu.enqueue_indirect_dma source(%dma_start3A_320 : memref<100000x32xf32, #tpu.memory_space<hbm>>) target(%dma_start3A_314 : memref<128x32xf32, #tpu.memory_space<vmem>>) offsets(%dma_start3A_317 : memref<128xi32, #tpu.memory_space<vmem>>) semaphore(%arg11 : memref<!tpu.dma_semaphore, #tpu.memory_space<semaphore_mem>>)
    %dma_start3A_321 = arith.constant 3 : i32
    %dma_start3A_322 = arith.constant 384 : i32
    %dma_start3A_323 = arith.constant 0 : i32
    %dma_start3A_324 = tpu.memref_slice %arg7[%dma_start3A_322, %dma_start3A_323] : memref<1024x32xf32, #tpu.memory_space<vmem>> -> memref<128x32xf32, #tpu.memory_space<vmem>>
    %dma_start3A_325 = arith.constant 0 : i32
    %dma_start3A_326 = tpu.memref_slice %arg5[%dma_start3A_321, %dma_start3A_325] : memref<8x128xi32, #tpu.memory_space<vmem>> -> memref<1x128xi32, #tpu.memory_space<vmem>>
    %dma_start3A_327 = tpu.memref_squeeze %dma_start3A_326 : memref<1x128xi32, #tpu.memory_space<vmem>> -> memref<128xi32, #tpu.memory_space<vmem>>
    %dma_start3A_328 = arith.constant 0 : i32
    %dma_start3A_329 = arith.constant 0 : i32
    %dma_start3A_330 = tpu.memref_slice %arg3[%dma_start3A_328, %dma_start3A_329] : memref<100000x32xf32, #tpu.memory_space<hbm>> -> memref<100000x32xf32, #tpu.memory_space<hbm>>
    tpu.enqueue_indirect_dma source(%dma_start3A_330 : memref<100000x32xf32, #tpu.memory_space<hbm>>) target(%dma_start3A_324 : memref<128x32xf32, #tpu.memory_space<vmem>>) offsets(%dma_start3A_327 : memref<128xi32, #tpu.memory_space<vmem>>) semaphore(%arg11 : memref<!tpu.dma_semaphore, #tpu.memory_space<semaphore_mem>>)
    %dma_start3A_331 = arith.constant 4 : i32
    %dma_start3A_332 = arith.constant 512 : i32
    %dma_start3A_333 = arith.constant 0 : i32
    %dma_start3A_334 = tpu.memref_slice %arg7[%dma_start3A_332, %dma_start3A_333] : memref<1024x32xf32, #tpu.memory_space<vmem>> -> memref<128x32xf32, #tpu.memory_space<vmem>>
    %dma_start3A_335 = arith.constant 0 : i32
    %dma_start3A_336 = tpu.memref_slice %arg5[%dma_start3A_331, %dma_start3A_335] : memref<8x128xi32, #tpu.memory_space<vmem>> -> memref<1x128xi32, #tpu.memory_space<vmem>>
    %dma_start3A_337 = tpu.memref_squeeze %dma_start3A_336 : memref<1x128xi32, #tpu.memory_space<vmem>> -> memref<128xi32, #tpu.memory_space<vmem>>
    %dma_start3A_338 = arith.constant 0 : i32
    %dma_start3A_339 = arith.constant 0 : i32
    %dma_start3A_340 = tpu.memref_slice %arg3[%dma_start3A_338, %dma_start3A_339] : memref<100000x32xf32, #tpu.memory_space<hbm>> -> memref<100000x32xf32, #tpu.memory_space<hbm>>
    tpu.enqueue_indirect_dma source(%dma_start3A_340 : memref<100000x32xf32, #tpu.memory_space<hbm>>) target(%dma_start3A_334 : memref<128x32xf32, #tpu.memory_space<vmem>>) offsets(%dma_start3A_337 : memref<128xi32, #tpu.memory_space<vmem>>) semaphore(%arg11 : memref<!tpu.dma_semaphore, #tpu.memory_space<semaphore_mem>>)
    %dma_start3A_341 = arith.constant 5 : i32
    %dma_start3A_342 = arith.constant 640 : i32
    %dma_start3A_343 = arith.constant 0 : i32
    %dma_start3A_344 = tpu.memref_slice %arg7[%dma_start3A_342, %dma_start3A_343] : memref<1024x32xf32, #tpu.memory_space<vmem>> -> memref<128x32xf32, #tpu.memory_space<vmem>>
    %dma_start3A_345 = arith.constant 0 : i32
    %dma_start3A_346 = tpu.memref_slice %arg5[%dma_start3A_341, %dma_start3A_345] : memref<8x128xi32, #tpu.memory_space<vmem>> -> memref<1x128xi32, #tpu.memory_space<vmem>>
    %dma_start3A_347 = tpu.memref_squeeze %dma_start3A_346 : memref<1x128xi32, #tpu.memory_space<vmem>> -> memref<128xi32, #tpu.memory_space<vmem>>
    %dma_start3A_348 = arith.constant 0 : i32
    %dma_start3A_349 = arith.constant 0 : i32
    %dma_start3A_350 = tpu.memref_slice %arg3[%dma_start3A_348, %dma_start3A_349] : memref<100000x32xf32, #tpu.memory_space<hbm>> -> memref<100000x32xf32, #tpu.memory_space<hbm>>
    tpu.enqueue_indirect_dma source(%dma_start3A_350 : memref<100000x32xf32, #tpu.memory_space<hbm>>) target(%dma_start3A_344 : memref<128x32xf32, #tpu.memory_space<vmem>>) offsets(%dma_start3A_347 : memref<128xi32, #tpu.memory_space<vmem>>) semaphore(%arg11 : memref<!tpu.dma_semaphore, #tpu.memory_space<semaphore_mem>>)
    %dma_start3A_351 = arith.constant 6 : i32
    %dma_start3A_352 = arith.constant 768 : i32
    %dma_start3A_353 = arith.constant 0 : i32
    %dma_start3A_354 = tpu.memref_slice %arg7[%dma_start3A_352, %dma_start3A_353] : memref<1024x32xf32, #tpu.memory_space<vmem>> -> memref<128x32xf32, #tpu.memory_space<vmem>>
    %dma_start3A_355 = arith.constant 0 : i32
    %dma_start3A_356 = tpu.memref_slice %arg5[%dma_start3A_351, %dma_start3A_355] : memref<8x128xi32, #tpu.memory_space<vmem>> -> memref<1x128xi32, #tpu.memory_space<vmem>>
    %dma_start3A_357 = tpu.memref_squeeze %dma_start3A_356 : memref<1x128xi32, #tpu.memory_space<vmem>> -> memref<128xi32, #tpu.memory_space<vmem>>
    %dma_start3A_358 = arith.constant 0 : i32
    %dma_start3A_359 = arith.constant 0 : i32
    %dma_start3A_360 = tpu.memref_slice %arg3[%dma_start3A_358, %dma_start3A_359] : memref<100000x32xf32, #tpu.memory_space<hbm>> -> memref<100000x32xf32, #tpu.memory_space<hbm>>
    tpu.enqueue_indirect_dma source(%dma_start3A_360 : memref<100000x32xf32, #tpu.memory_space<hbm>>) target(%dma_start3A_354 : memref<128x32xf32, #tpu.memory_space<vmem>>) offsets(%dma_start3A_357 : memref<128xi32, #tpu.memory_space<vmem>>) semaphore(%arg11 : memref<!tpu.dma_semaphore, #tpu.memory_space<semaphore_mem>>)
    %dma_start3A_361 = arith.constant 7 : i32
    %dma_start3A_362 = arith.constant 896 : i32
    %dma_start3A_363 = arith.constant 0 : i32
    %dma_start3A_364 = tpu.memref_slice %arg7[%dma_start3A_362, %dma_start3A_363] : memref<1024x32xf32, #tpu.memory_space<vmem>> -> memref<128x32xf32, #tpu.memory_space<vmem>>
    %dma_start3A_365 = arith.constant 0 : i32
    %dma_start3A_366 = tpu.memref_slice %arg5[%dma_start3A_361, %dma_start3A_365] : memref<8x128xi32, #tpu.memory_space<vmem>> -> memref<1x128xi32, #tpu.memory_space<vmem>>
    %dma_start3A_367 = tpu.memref_squeeze %dma_start3A_366 : memref<1x128xi32, #tpu.memory_space<vmem>> -> memref<128xi32, #tpu.memory_space<vmem>>
    %dma_start3A_368 = arith.constant 0 : i32
    %dma_start3A_369 = arith.constant 0 : i32
    %dma_start3A_370 = tpu.memref_slice %arg3[%dma_start3A_368, %dma_start3A_369] : memref<100000x32xf32, #tpu.memory_space<hbm>> -> memref<100000x32xf32, #tpu.memory_space<hbm>>
    tpu.enqueue_indirect_dma source(%dma_start3A_370 : memref<100000x32xf32, #tpu.memory_space<hbm>>) target(%dma_start3A_364 : memref<128x32xf32, #tpu.memory_space<vmem>>) offsets(%dma_start3A_367 : memref<128xi32, #tpu.memory_space<vmem>>) semaphore(%arg11 : memref<!tpu.dma_semaphore, #tpu.memory_space<semaphore_mem>>)
    %dma_wait3A_371 = arith.constant 0 : i32
    %dma_wait3A_372 = arith.constant 0 : i32
    %dma_wait3A_373 = arith.constant 0 : i32
    %dma_wait3A_374 = tpu.memref_slice %arg8[%dma_wait3A_372, %dma_wait3A_373] : memref<1024x32xf32, #tpu.memory_space<vmem>> -> memref<128x32xf32, #tpu.memory_space<vmem>>
    %dma_wait3A_375 = arith.constant 0 : i32
    %dma_wait3A_376 = tpu.memref_slice %arg6[%dma_wait3A_371, %dma_wait3A_375] : memref<8x128xi32, #tpu.memory_space<vmem>> -> memref<1x128xi32, #tpu.memory_space<vmem>>
    %dma_wait3A_377 = tpu.memref_squeeze %dma_wait3A_376 : memref<1x128xi32, #tpu.memory_space<vmem>> -> memref<128xi32, #tpu.memory_space<vmem>>
    %dma_wait3A_378 = arith.constant 0 : i32
    %dma_wait3A_379 = arith.constant 0 : i32
    %dma_wait3A_380 = tpu.memref_slice %arg3[%dma_wait3A_378, %dma_wait3A_379] : memref<100000x32xf32, #tpu.memory_space<hbm>> -> memref<100000x32xf32, #tpu.memory_space<hbm>>
    tpu.wait_indirect_dma semaphore(%arg12 : memref<!tpu.dma_semaphore, #tpu.memory_space<semaphore_mem>>) src(%dma_wait3A_380 : memref<100000x32xf32, #tpu.memory_space<hbm>>) dst(%dma_wait3A_374 : memref<128x32xf32, #tpu.memory_space<vmem>>)
    %dma_wait3A_381 = arith.constant 1 : i32
    %dma_wait3A_382 = arith.constant 128 : i32
    %dma_wait3A_383 = arith.constant 0 : i32
    %dma_wait3A_384 = tpu.memref_slice %arg8[%dma_wait3A_382, %dma_wait3A_383] : memref<1024x32xf32, #tpu.memory_space<vmem>> -> memref<128x32xf32, #tpu.memory_space<vmem>>
    %dma_wait3A_385 = arith.constant 0 : i32
    %dma_wait3A_386 = tpu.memref_slice %arg6[%dma_wait3A_381, %dma_wait3A_385] : memref<8x128xi32, #tpu.memory_space<vmem>> -> memref<1x128xi32, #tpu.memory_space<vmem>>
    %dma_wait3A_387 = tpu.memref_squeeze %dma_wait3A_386 : memref<1x128xi32, #tpu.memory_space<vmem>> -> memref<128xi32, #tpu.memory_space<vmem>>
    %dma_wait3A_388 = arith.constant 0 : i32
    %dma_wait3A_389 = arith.constant 0 : i32
    %dma_wait3A_390 = tpu.memref_slice %arg3[%dma_wait3A_388, %dma_wait3A_389] : memref<100000x32xf32, #tpu.memory_space<hbm>> -> memref<100000x32xf32, #tpu.memory_space<hbm>>
    tpu.wait_indirect_dma semaphore(%arg12 : memref<!tpu.dma_semaphore, #tpu.memory_space<semaphore_mem>>) src(%dma_wait3A_390 : memref<100000x32xf32, #tpu.memory_space<hbm>>) dst(%dma_wait3A_384 : memref<128x32xf32, #tpu.memory_space<vmem>>)
    %dma_wait3A_391 = arith.constant 2 : i32
    %dma_wait3A_392 = arith.constant 256 : i32
    %dma_wait3A_393 = arith.constant 0 : i32
    %dma_wait3A_394 = tpu.memref_slice %arg8[%dma_wait3A_392, %dma_wait3A_393] : memref<1024x32xf32, #tpu.memory_space<vmem>> -> memref<128x32xf32, #tpu.memory_space<vmem>>
    %dma_wait3A_395 = arith.constant 0 : i32
    %dma_wait3A_396 = tpu.memref_slice %arg6[%dma_wait3A_391, %dma_wait3A_395] : memref<8x128xi32, #tpu.memory_space<vmem>> -> memref<1x128xi32, #tpu.memory_space<vmem>>
    %dma_wait3A_397 = tpu.memref_squeeze %dma_wait3A_396 : memref<1x128xi32, #tpu.memory_space<vmem>> -> memref<128xi32, #tpu.memory_space<vmem>>
    %dma_wait3A_398 = arith.constant 0 : i32
    %dma_wait3A_399 = arith.constant 0 : i32
    %dma_wait3A_400 = tpu.memref_slice %arg3[%dma_wait3A_398, %dma_wait3A_399] : memref<100000x32xf32, #tpu.memory_space<hbm>> -> memref<100000x32xf32, #tpu.memory_space<hbm>>
    tpu.wait_indirect_dma semaphore(%arg12 : memref<!tpu.dma_semaphore, #tpu.memory_space<semaphore_mem>>) src(%dma_wait3A_400 : memref<100000x32xf32, #tpu.memory_space<hbm>>) dst(%dma_wait3A_394 : memref<128x32xf32, #tpu.memory_space<vmem>>)
    %dma_wait3A_401 = arith.constant 3 : i32
    %dma_wait3A_402 = arith.constant 384 : i32
    %dma_wait3A_403 = arith.constant 0 : i32
    %dma_wait3A_404 = tpu.memref_slice %arg8[%dma_wait3A_402, %dma_wait3A_403] : memref<1024x32xf32, #tpu.memory_space<vmem>> -> memref<128x32xf32, #tpu.memory_space<vmem>>
    %dma_wait3A_405 = arith.constant 0 : i32
    %dma_wait3A_406 = tpu.memref_slice %arg6[%dma_wait3A_401, %dma_wait3A_405] : memref<8x128xi32, #tpu.memory_space<vmem>> -> memref<1x128xi32, #tpu.memory_space<vmem>>
    %dma_wait3A_407 = tpu.memref_squeeze %dma_wait3A_406 : memref<1x128xi32, #tpu.memory_space<vmem>> -> memref<128xi32, #tpu.memory_space<vmem>>
    %dma_wait3A_408 = arith.constant 0 : i32
    %dma_wait3A_409 = arith.constant 0 : i32
    %dma_wait3A_410 = tpu.memref_slice %arg3[%dma_wait3A_408, %dma_wait3A_409] : memref<100000x32xf32, #tpu.memory_space<hbm>> -> memref<100000x32xf32, #tpu.memory_space<hbm>>
    tpu.wait_indirect_dma semaphore(%arg12 : memref<!tpu.dma_semaphore, #tpu.memory_space<semaphore_mem>>) src(%dma_wait3A_410 : memref<100000x32xf32, #tpu.memory_space<hbm>>) dst(%dma_wait3A_404 : memref<128x32xf32, #tpu.memory_space<vmem>>)
    %dma_wait3A_411 = arith.constant 4 : i32
    %dma_wait3A_412 = arith.constant 512 : i32
    %dma_wait3A_413 = arith.constant 0 : i32
    %dma_wait3A_414 = tpu.memref_slice %arg8[%dma_wait3A_412, %dma_wait3A_413] : memref<1024x32xf32, #tpu.memory_space<vmem>> -> memref<128x32xf32, #tpu.memory_space<vmem>>
    %dma_wait3A_415 = arith.constant 0 : i32
    %dma_wait3A_416 = tpu.memref_slice %arg6[%dma_wait3A_411, %dma_wait3A_415] : memref<8x128xi32, #tpu.memory_space<vmem>> -> memref<1x128xi32, #tpu.memory_space<vmem>>
    %dma_wait3A_417 = tpu.memref_squeeze %dma_wait3A_416 : memref<1x128xi32, #tpu.memory_space<vmem>> -> memref<128xi32, #tpu.memory_space<vmem>>
    %dma_wait3A_418 = arith.constant 0 : i32
    %dma_wait3A_419 = arith.constant 0 : i32
    %dma_wait3A_420 = tpu.memref_slice %arg3[%dma_wait3A_418, %dma_wait3A_419] : memref<100000x32xf32, #tpu.memory_space<hbm>> -> memref<100000x32xf32, #tpu.memory_space<hbm>>
    tpu.wait_indirect_dma semaphore(%arg12 : memref<!tpu.dma_semaphore, #tpu.memory_space<semaphore_mem>>) src(%dma_wait3A_420 : memref<100000x32xf32, #tpu.memory_space<hbm>>) dst(%dma_wait3A_414 : memref<128x32xf32, #tpu.memory_space<vmem>>)
    %dma_wait3A_421 = arith.constant 5 : i32
    %dma_wait3A_422 = arith.constant 640 : i32
    %dma_wait3A_423 = arith.constant 0 : i32
    %dma_wait3A_424 = tpu.memref_slice %arg8[%dma_wait3A_422, %dma_wait3A_423] : memref<1024x32xf32, #tpu.memory_space<vmem>> -> memref<128x32xf32, #tpu.memory_space<vmem>>
    %dma_wait3A_425 = arith.constant 0 : i32
    %dma_wait3A_426 = tpu.memref_slice %arg6[%dma_wait3A_421, %dma_wait3A_425] : memref<8x128xi32, #tpu.memory_space<vmem>> -> memref<1x128xi32, #tpu.memory_space<vmem>>
    %dma_wait3A_427 = tpu.memref_squeeze %dma_wait3A_426 : memref<1x128xi32, #tpu.memory_space<vmem>> -> memref<128xi32, #tpu.memory_space<vmem>>
    %dma_wait3A_428 = arith.constant 0 : i32
    %dma_wait3A_429 = arith.constant 0 : i32
    %dma_wait3A_430 = tpu.memref_slice %arg3[%dma_wait3A_428, %dma_wait3A_429] : memref<100000x32xf32, #tpu.memory_space<hbm>> -> memref<100000x32xf32, #tpu.memory_space<hbm>>
    tpu.wait_indirect_dma semaphore(%arg12 : memref<!tpu.dma_semaphore, #tpu.memory_space<semaphore_mem>>) src(%dma_wait3A_430 : memref<100000x32xf32, #tpu.memory_space<hbm>>) dst(%dma_wait3A_424 : memref<128x32xf32, #tpu.memory_space<vmem>>)
    %dma_wait3A_431 = arith.constant 6 : i32
    %dma_wait3A_432 = arith.constant 768 : i32
    %dma_wait3A_433 = arith.constant 0 : i32
    %dma_wait3A_434 = tpu.memref_slice %arg8[%dma_wait3A_432, %dma_wait3A_433] : memref<1024x32xf32, #tpu.memory_space<vmem>> -> memref<128x32xf32, #tpu.memory_space<vmem>>
    %dma_wait3A_435 = arith.constant 0 : i32
    %dma_wait3A_436 = tpu.memref_slice %arg6[%dma_wait3A_431, %dma_wait3A_435] : memref<8x128xi32, #tpu.memory_space<vmem>> -> memref<1x128xi32, #tpu.memory_space<vmem>>
    %dma_wait3A_437 = tpu.memref_squeeze %dma_wait3A_436 : memref<1x128xi32, #tpu.memory_space<vmem>> -> memref<128xi32, #tpu.memory_space<vmem>>
    %dma_wait3A_438 = arith.constant 0 : i32
    %dma_wait3A_439 = arith.constant 0 : i32
    %dma_wait3A_440 = tpu.memref_slice %arg3[%dma_wait3A_438, %dma_wait3A_439] : memref<100000x32xf32, #tpu.memory_space<hbm>> -> memref<100000x32xf32, #tpu.memory_space<hbm>>
    tpu.wait_indirect_dma semaphore(%arg12 : memref<!tpu.dma_semaphore, #tpu.memory_space<semaphore_mem>>) src(%dma_wait3A_440 : memref<100000x32xf32, #tpu.memory_space<hbm>>) dst(%dma_wait3A_434 : memref<128x32xf32, #tpu.memory_space<vmem>>)
    %dma_wait3A_441 = arith.constant 7 : i32
    %dma_wait3A_442 = arith.constant 896 : i32
    %dma_wait3A_443 = arith.constant 0 : i32
    %dma_wait3A_444 = tpu.memref_slice %arg8[%dma_wait3A_442, %dma_wait3A_443] : memref<1024x32xf32, #tpu.memory_space<vmem>> -> memref<128x32xf32, #tpu.memory_space<vmem>>
    %dma_wait3A_445 = arith.constant 0 : i32
    %dma_wait3A_446 = tpu.memref_slice %arg6[%dma_wait3A_441, %dma_wait3A_445] : memref<8x128xi32, #tpu.memory_space<vmem>> -> memref<1x128xi32, #tpu.memory_space<vmem>>
    %dma_wait3A_447 = tpu.memref_squeeze %dma_wait3A_446 : memref<1x128xi32, #tpu.memory_space<vmem>> -> memref<128xi32, #tpu.memory_space<vmem>>
    %dma_wait3A_448 = arith.constant 0 : i32
    %dma_wait3A_449 = arith.constant 0 : i32
    %dma_wait3A_450 = tpu.memref_slice %arg3[%dma_wait3A_448, %dma_wait3A_449] : memref<100000x32xf32, #tpu.memory_space<hbm>> -> memref<100000x32xf32, #tpu.memory_space<hbm>>
    tpu.wait_indirect_dma semaphore(%arg12 : memref<!tpu.dma_semaphore, #tpu.memory_space<semaphore_mem>>) src(%dma_wait3A_450 : memref<100000x32xf32, #tpu.memory_space<hbm>>) dst(%dma_wait3A_444 : memref<128x32xf32, #tpu.memory_space<vmem>>)
    %add3A_451 = arith.constant 24 : i32
    %add3A_452 = arith.addi %mul3A_4, %add3A_451 : i32
    %dma_start3A_453 = arith.constant 0 : i32
    %dma_start3A_454 = tpu.memref_slice %arg2[%add3A_452, %dma_start3A_453] : memref<25600x128xi32, #tpu.memory_space<hbm>> -> memref<8x128xi32, #tpu.memory_space<hbm>>
    %dma_start3A_455 = arith.constant 0 : i32
    %dma_start3A_456 = tpu.memref_slice %arg2[%add3A_452, %dma_start3A_455] : memref<25600x128xi32, #tpu.memory_space<hbm>> -> memref<8x128xi32, #tpu.memory_space<hbm>>
    tpu.enqueue_dma source(%dma_start3A_456 : memref<8x128xi32, #tpu.memory_space<hbm>>) target(%arg6 : memref<8x128xi32, #tpu.memory_space<vmem>>) target_semaphore(%arg10 : memref<!tpu.dma_semaphore, #tpu.memory_space<semaphore_mem>>)
    %add3A_457 = arith.constant 1024 : i32
    %add3A_458 = arith.addi %mul3A_2, %add3A_457 : i32
    %dma_start3A_459 = arith.constant 0 : i32
    %dma_start3A_460 = tpu.memref_slice %arg4[%add3A_458, %dma_start3A_459] : memref<3276800x32xf32, #tpu.memory_space<hbm>> -> memref<1024x32xf32, #tpu.memory_space<hbm>>
    %dma_start3A_461 = arith.constant 0 : i32
    %dma_start3A_462 = tpu.memref_slice %arg4[%add3A_458, %dma_start3A_461] : memref<3276800x32xf32, #tpu.memory_space<hbm>> -> memref<1024x32xf32, #tpu.memory_space<hbm>>
    tpu.enqueue_dma source(%arg8 : memref<1024x32xf32, #tpu.memory_space<vmem>>) target(%dma_start3A_462 : memref<1024x32xf32, #tpu.memory_space<hbm>>) target_semaphore(%arg14 : memref<!tpu.dma_semaphore, #tpu.memory_space<semaphore_mem>>)
    %scan3A = arith.constant 0 : i32
    %scan3A_463 = arith.constant 0 : i32
    %scan3A_464 = arith.constant 48 : i32
    %scan3A_465 = arith.addi %scan3A_463, %scan3A_464 : i32
    %scan3A_466 = arith.constant 1 : i32
    scf.for %scan3A_744 = %scan3A_463 to %scan3A_465 step %scan3A_466  : i32 {
      %mul3A_745 = arith.constant 2 : i32
      %mul3A_746 = arith.muli %mul3A_745, %scan3A_744 : i32
      %add3A_747 = arith.constant 2 : i32
      %add3A_748 = arith.addi %add3A_747, %mul3A_746 : i32
      %add3A_749 = arith.constant 1 : i32
      %add3A_750 = arith.addi %add3A_748, %add3A_749 : i32
      %mul3A_751 = arith.constant 8 : i32
      %mul3A_752 = arith.muli %add3A_750, %mul3A_751 : i32
      %add3A_753 = arith.addi %mul3A_4, %mul3A_752 : i32
      %dma_wait3A_754 = arith.constant 0 : i32
      %dma_wait3A_755 = tpu.memref_slice %arg2[%add3A_753, %dma_wait3A_754] : memref<25600x128xi32, #tpu.memory_space<hbm>> -> memref<8x128xi32, #tpu.memory_space<hbm>>
      %dma_wait3A_756 = arith.constant 0 : i32
      %dma_wait3A_757 = tpu.memref_slice %arg2[%add3A_753, %dma_wait3A_756] : memref<25600x128xi32, #tpu.memory_space<hbm>> -> memref<8x128xi32, #tpu.memory_space<hbm>>
      tpu.wait_dma2 semaphore(%arg10 : memref<!tpu.dma_semaphore, #tpu.memory_space<semaphore_mem>>) src(%dma_wait3A_757 : memref<8x128xi32, #tpu.memory_space<hbm>>) dst(%arg6 : memref<8x128xi32, #tpu.memory_space<vmem>>)
      %sub3A = arith.constant 1 : i32
      %sub3A_758 = arith.subi %add3A_748, %sub3A : i32
      %mul3A_759 = arith.constant 1024 : i32
      %mul3A_760 = arith.muli %sub3A_758, %mul3A_759 : i32
      %add3A_761 = arith.addi %mul3A_2, %mul3A_760 : i32
      %dma_wait3A_762 = arith.constant 0 : i32
      %dma_wait3A_763 = tpu.memref_slice %arg4[%add3A_761, %dma_wait3A_762] : memref<3276800x32xf32, #tpu.memory_space<hbm>> -> memref<1024x32xf32, #tpu.memory_space<hbm>>
      %dma_wait3A_764 = arith.constant 0 : i32
      %dma_wait3A_765 = tpu.memref_slice %arg4[%add3A_761, %dma_wait3A_764] : memref<3276800x32xf32, #tpu.memory_space<hbm>> -> memref<1024x32xf32, #tpu.memory_space<hbm>>
      tpu.wait_dma2 semaphore(%arg14 : memref<!tpu.dma_semaphore, #tpu.memory_space<semaphore_mem>>) src(%arg8 : memref<1024x32xf32, #tpu.memory_space<vmem>>) dst(%dma_wait3A_765 : memref<1024x32xf32, #tpu.memory_space<hbm>>)
      %dma_start3A_766 = arith.constant 0 : i32
      %dma_start3A_767 = arith.constant 0 : i32
      %dma_start3A_768 = arith.constant 0 : i32
      %dma_start3A_769 = tpu.memref_slice %arg8[%dma_start3A_767, %dma_start3A_768] : memref<1024x32xf32, #tpu.memory_space<vmem>> -> memref<128x32xf32, #tpu.memory_space<vmem>>
      %dma_start3A_770 = arith.constant 0 : i32
      %dma_start3A_771 = tpu.memref_slice %arg6[%dma_start3A_766, %dma_start3A_770] : memref<8x128xi32, #tpu.memory_space<vmem>> -> memref<1x128xi32, #tpu.memory_space<vmem>>
      %dma_start3A_772 = tpu.memref_squeeze %dma_start3A_771 : memref<1x128xi32, #tpu.memory_space<vmem>> -> memref<128xi32, #tpu.memory_space<vmem>>
      %dma_start3A_773 = arith.constant 0 : i32
      %dma_start3A_774 = arith.constant 0 : i32
      %dma_start3A_775 = tpu.memref_slice %arg3[%dma_start3A_773, %dma_start3A_774] : memref<100000x32xf32, #tpu.memory_space<hbm>> -> memref<100000x32xf32, #tpu.memory_space<hbm>>
      tpu.enqueue_indirect_dma source(%dma_start3A_775 : memref<100000x32xf32, #tpu.memory_space<hbm>>) target(%dma_start3A_769 : memref<128x32xf32, #tpu.memory_space<vmem>>) offsets(%dma_start3A_772 : memref<128xi32, #tpu.memory_space<vmem>>) semaphore(%arg12 : memref<!tpu.dma_semaphore, #tpu.memory_space<semaphore_mem>>)
      %dma_start3A_776 = arith.constant 1 : i32
      %dma_start3A_777 = arith.constant 128 : i32
      %dma_start3A_778 = arith.constant 0 : i32
      %dma_start3A_779 = tpu.memref_slice %arg8[%dma_start3A_777, %dma_start3A_778] : memref<1024x32xf32, #tpu.memory_space<vmem>> -> memref<128x32xf32, #tpu.memory_space<vmem>>
      %dma_start3A_780 = arith.constant 0 : i32
      %dma_start3A_781 = tpu.memref_slice %arg6[%dma_start3A_776, %dma_start3A_780] : memref<8x128xi32, #tpu.memory_space<vmem>> -> memref<1x128xi32, #tpu.memory_space<vmem>>
      %dma_start3A_782 = tpu.memref_squeeze %dma_start3A_781 : memref<1x128xi32, #tpu.memory_space<vmem>> -> memref<128xi32, #tpu.memory_space<vmem>>
      %dma_start3A_783 = arith.constant 0 : i32
      %dma_start3A_784 = arith.constant 0 : i32
      %dma_start3A_785 = tpu.memref_slice %arg3[%dma_start3A_783, %dma_start3A_784] : memref<100000x32xf32, #tpu.memory_space<hbm>> -> memref<100000x32xf32, #tpu.memory_space<hbm>>
      tpu.enqueue_indirect_dma source(%dma_start3A_785 : memref<100000x32xf32, #tpu.memory_space<hbm>>) target(%dma_start3A_779 : memref<128x32xf32, #tpu.memory_space<vmem>>) offsets(%dma_start3A_782 : memref<128xi32, #tpu.memory_space<vmem>>) semaphore(%arg12 : memref<!tpu.dma_semaphore, #tpu.memory_space<semaphore_mem>>)
      %dma_start3A_786 = arith.constant 2 : i32
      %dma_start3A_787 = arith.constant 256 : i32
      %dma_start3A_788 = arith.constant 0 : i32
      %dma_start3A_789 = tpu.memref_slice %arg8[%dma_start3A_787, %dma_start3A_788] : memref<1024x32xf32, #tpu.memory_space<vmem>> -> memref<128x32xf32, #tpu.memory_space<vmem>>
      %dma_start3A_790 = arith.constant 0 : i32
      %dma_start3A_791 = tpu.memref_slice %arg6[%dma_start3A_786, %dma_start3A_790] : memref<8x128xi32, #tpu.memory_space<vmem>> -> memref<1x128xi32, #tpu.memory_space<vmem>>
      %dma_start3A_792 = tpu.memref_squeeze %dma_start3A_791 : memref<1x128xi32, #tpu.memory_space<vmem>> -> memref<128xi32, #tpu.memory_space<vmem>>
      %dma_start3A_793 = arith.constant 0 : i32
      %dma_start3A_794 = arith.constant 0 : i32
      %dma_start3A_795 = tpu.memref_slice %arg3[%dma_start3A_793, %dma_start3A_794] : memref<100000x32xf32, #tpu.memory_space<hbm>> -> memref<100000x32xf32, #tpu.memory_space<hbm>>
      tpu.enqueue_indirect_dma source(%dma_start3A_795 : memref<100000x32xf32, #tpu.memory_space<hbm>>) target(%dma_start3A_789 : memref<128x32xf32, #tpu.memory_space<vmem>>) offsets(%dma_start3A_792 : memref<128xi32, #tpu.memory_space<vmem>>) semaphore(%arg12 : memref<!tpu.dma_semaphore, #tpu.memory_space<semaphore_mem>>)
      %dma_start3A_796 = arith.constant 3 : i32
      %dma_start3A_797 = arith.constant 384 : i32
      %dma_start3A_798 = arith.constant 0 : i32
      %dma_start3A_799 = tpu.memref_slice %arg8[%dma_start3A_797, %dma_start3A_798] : memref<1024x32xf32, #tpu.memory_space<vmem>> -> memref<128x32xf32, #tpu.memory_space<vmem>>
      %dma_start3A_800 = arith.constant 0 : i32
      %dma_start3A_801 = tpu.memref_slice %arg6[%dma_start3A_796, %dma_start3A_800] : memref<8x128xi32, #tpu.memory_space<vmem>> -> memref<1x128xi32, #tpu.memory_space<vmem>>
      %dma_start3A_802 = tpu.memref_squeeze %dma_start3A_801 : memref<1x128xi32, #tpu.memory_space<vmem>> -> memref<128xi32, #tpu.memory_space<vmem>>
      %dma_start3A_803 = arith.constant 0 : i32
      %dma_start3A_804 = arith.constant 0 : i32
      %dma_start3A_805 = tpu.memref_slice %arg3[%dma_start3A_803, %dma_start3A_804] : memref<100000x32xf32, #tpu.memory_space<hbm>> -> memref<100000x32xf32, #tpu.memory_space<hbm>>
      tpu.enqueue_indirect_dma source(%dma_start3A_805 : memref<100000x32xf32, #tpu.memory_space<hbm>>) target(%dma_start3A_799 : memref<128x32xf32, #tpu.memory_space<vmem>>) offsets(%dma_start3A_802 : memref<128xi32, #tpu.memory_space<vmem>>) semaphore(%arg12 : memref<!tpu.dma_semaphore, #tpu.memory_space<semaphore_mem>>)
      %dma_start3A_806 = arith.constant 4 : i32
      %dma_start3A_807 = arith.constant 512 : i32
      %dma_start3A_808 = arith.constant 0 : i32
      %dma_start3A_809 = tpu.memref_slice %arg8[%dma_start3A_807, %dma_start3A_808] : memref<1024x32xf32, #tpu.memory_space<vmem>> -> memref<128x32xf32, #tpu.memory_space<vmem>>
      %dma_start3A_810 = arith.constant 0 : i32
      %dma_start3A_811 = tpu.memref_slice %arg6[%dma_start3A_806, %dma_start3A_810] : memref<8x128xi32, #tpu.memory_space<vmem>> -> memref<1x128xi32, #tpu.memory_space<vmem>>
      %dma_start3A_812 = tpu.memref_squeeze %dma_start3A_811 : memref<1x128xi32, #tpu.memory_space<vmem>> -> memref<128xi32, #tpu.memory_space<vmem>>
      %dma_start3A_813 = arith.constant 0 : i32
      %dma_start3A_814 = arith.constant 0 : i32
      %dma_start3A_815 = tpu.memref_slice %arg3[%dma_start3A_813, %dma_start3A_814] : memref<100000x32xf32, #tpu.memory_space<hbm>> -> memref<100000x32xf32, #tpu.memory_space<hbm>>
      tpu.enqueue_indirect_dma source(%dma_start3A_815 : memref<100000x32xf32, #tpu.memory_space<hbm>>) target(%dma_start3A_809 : memref<128x32xf32, #tpu.memory_space<vmem>>) offsets(%dma_start3A_812 : memref<128xi32, #tpu.memory_space<vmem>>) semaphore(%arg12 : memref<!tpu.dma_semaphore, #tpu.memory_space<semaphore_mem>>)
      %dma_start3A_816 = arith.constant 5 : i32
      %dma_start3A_817 = arith.constant 640 : i32
      %dma_start3A_818 = arith.constant 0 : i32
      %dma_start3A_819 = tpu.memref_slice %arg8[%dma_start3A_817, %dma_start3A_818] : memref<1024x32xf32, #tpu.memory_space<vmem>> -> memref<128x32xf32, #tpu.memory_space<vmem>>
      %dma_start3A_820 = arith.constant 0 : i32
      %dma_start3A_821 = tpu.memref_slice %arg6[%dma_start3A_816, %dma_start3A_820] : memref<8x128xi32, #tpu.memory_space<vmem>> -> memref<1x128xi32, #tpu.memory_space<vmem>>
      %dma_start3A_822 = tpu.memref_squeeze %dma_start3A_821 : memref<1x128xi32, #tpu.memory_space<vmem>> -> memref<128xi32, #tpu.memory_space<vmem>>
      %dma_start3A_823 = arith.constant 0 : i32
      %dma_start3A_824 = arith.constant 0 : i32
      %dma_start3A_825 = tpu.memref_slice %arg3[%dma_start3A_823, %dma_start3A_824] : memref<100000x32xf32, #tpu.memory_space<hbm>> -> memref<100000x32xf32, #tpu.memory_space<hbm>>
      tpu.enqueue_indirect_dma source(%dma_start3A_825 : memref<100000x32xf32, #tpu.memory_space<hbm>>) target(%dma_start3A_819 : memref<128x32xf32, #tpu.memory_space<vmem>>) offsets(%dma_start3A_822 : memref<128xi32, #tpu.memory_space<vmem>>) semaphore(%arg12 : memref<!tpu.dma_semaphore, #tpu.memory_space<semaphore_mem>>)
      %dma_start3A_826 = arith.constant 6 : i32
      %dma_start3A_827 = arith.constant 768 : i32
      %dma_start3A_828 = arith.constant 0 : i32
      %dma_start3A_829 = tpu.memref_slice %arg8[%dma_start3A_827, %dma_start3A_828] : memref<1024x32xf32, #tpu.memory_space<vmem>> -> memref<128x32xf32, #tpu.memory_space<vmem>>
      %dma_start3A_830 = arith.constant 0 : i32
      %dma_start3A_831 = tpu.memref_slice %arg6[%dma_start3A_826, %dma_start3A_830] : memref<8x128xi32, #tpu.memory_space<vmem>> -> memref<1x128xi32, #tpu.memory_space<vmem>>
      %dma_start3A_832 = tpu.memref_squeeze %dma_start3A_831 : memref<1x128xi32, #tpu.memory_space<vmem>> -> memref<128xi32, #tpu.memory_space<vmem>>
      %dma_start3A_833 = arith.constant 0 : i32
      %dma_start3A_834 = arith.constant 0 : i32
      %dma_start3A_835 = tpu.memref_slice %arg3[%dma_start3A_833, %dma_start3A_834] : memref<100000x32xf32, #tpu.memory_space<hbm>> -> memref<100000x32xf32, #tpu.memory_space<hbm>>
      tpu.enqueue_indirect_dma source(%dma_start3A_835 : memref<100000x32xf32, #tpu.memory_space<hbm>>) target(%dma_start3A_829 : memref<128x32xf32, #tpu.memory_space<vmem>>) offsets(%dma_start3A_832 : memref<128xi32, #tpu.memory_space<vmem>>) semaphore(%arg12 : memref<!tpu.dma_semaphore, #tpu.memory_space<semaphore_mem>>)
      %dma_start3A_836 = arith.constant 7 : i32
      %dma_start3A_837 = arith.constant 896 : i32
      %dma_start3A_838 = arith.constant 0 : i32
      %dma_start3A_839 = tpu.memref_slice %arg8[%dma_start3A_837, %dma_start3A_838] : memref<1024x32xf32, #tpu.memory_space<vmem>> -> memref<128x32xf32, #tpu.memory_space<vmem>>
      %dma_start3A_840 = arith.constant 0 : i32
      %dma_start3A_841 = tpu.memref_slice %arg6[%dma_start3A_836, %dma_start3A_840] : memref<8x128xi32, #tpu.memory_space<vmem>> -> memref<1x128xi32, #tpu.memory_space<vmem>>
      %dma_start3A_842 = tpu.memref_squeeze %dma_start3A_841 : memref<1x128xi32, #tpu.memory_space<vmem>> -> memref<128xi32, #tpu.memory_space<vmem>>
      %dma_start3A_843 = arith.constant 0 : i32
      %dma_start3A_844 = arith.constant 0 : i32
      %dma_start3A_845 = tpu.memref_slice %arg3[%dma_start3A_843, %dma_start3A_844] : memref<100000x32xf32, #tpu.memory_space<hbm>> -> memref<100000x32xf32, #tpu.memory_space<hbm>>
      tpu.enqueue_indirect_dma source(%dma_start3A_845 : memref<100000x32xf32, #tpu.memory_space<hbm>>) target(%dma_start3A_839 : memref<128x32xf32, #tpu.memory_space<vmem>>) offsets(%dma_start3A_842 : memref<128xi32, #tpu.memory_space<vmem>>) semaphore(%arg12 : memref<!tpu.dma_semaphore, #tpu.memory_space<semaphore_mem>>)
      %dma_wait3A_846 = arith.constant 0 : i32
      %dma_wait3A_847 = arith.constant 0 : i32
      %dma_wait3A_848 = arith.constant 0 : i32
      %dma_wait3A_849 = tpu.memref_slice %arg7[%dma_wait3A_847, %dma_wait3A_848] : memref<1024x32xf32, #tpu.memory_space<vmem>> -> memref<128x32xf32, #tpu.memory_space<vmem>>
      %dma_wait3A_850 = arith.constant 0 : i32
      %dma_wait3A_851 = tpu.memref_slice %arg5[%dma_wait3A_846, %dma_wait3A_850] : memref<8x128xi32, #tpu.memory_space<vmem>> -> memref<1x128xi32, #tpu.memory_space<vmem>>
      %dma_wait3A_852 = tpu.memref_squeeze %dma_wait3A_851 : memref<1x128xi32, #tpu.memory_space<vmem>> -> memref<128xi32, #tpu.memory_space<vmem>>
      %dma_wait3A_853 = arith.constant 0 : i32
      %dma_wait3A_854 = arith.constant 0 : i32
      %dma_wait3A_855 = tpu.memref_slice %arg3[%dma_wait3A_853, %dma_wait3A_854] : memref<100000x32xf32, #tpu.memory_space<hbm>> -> memref<100000x32xf32, #tpu.memory_space<hbm>>
      tpu.wait_indirect_dma semaphore(%arg11 : memref<!tpu.dma_semaphore, #tpu.memory_space<semaphore_mem>>) src(%dma_wait3A_855 : memref<100000x32xf32, #tpu.memory_space<hbm>>) dst(%dma_wait3A_849 : memref<128x32xf32, #tpu.memory_space<vmem>>)
      %dma_wait3A_856 = arith.constant 1 : i32
      %dma_wait3A_857 = arith.constant 128 : i32
      %dma_wait3A_858 = arith.constant 0 : i32
      %dma_wait3A_859 = tpu.memref_slice %arg7[%dma_wait3A_857, %dma_wait3A_858] : memref<1024x32xf32, #tpu.memory_space<vmem>> -> memref<128x32xf32, #tpu.memory_space<vmem>>
      %dma_wait3A_860 = arith.constant 0 : i32
      %dma_wait3A_861 = tpu.memref_slice %arg5[%dma_wait3A_856, %dma_wait3A_860] : memref<8x128xi32, #tpu.memory_space<vmem>> -> memref<1x128xi32, #tpu.memory_space<vmem>>
      %dma_wait3A_862 = tpu.memref_squeeze %dma_wait3A_861 : memref<1x128xi32, #tpu.memory_space<vmem>> -> memref<128xi32, #tpu.memory_space<vmem>>
      %dma_wait3A_863 = arith.constant 0 : i32
      %dma_wait3A_864 = arith.constant 0 : i32
      %dma_wait3A_865 = tpu.memref_slice %arg3[%dma_wait3A_863, %dma_wait3A_864] : memref<100000x32xf32, #tpu.memory_space<hbm>> -> memref<100000x32xf32, #tpu.memory_space<hbm>>
      tpu.wait_indirect_dma semaphore(%arg11 : memref<!tpu.dma_semaphore, #tpu.memory_space<semaphore_mem>>) src(%dma_wait3A_865 : memref<100000x32xf32, #tpu.memory_space<hbm>>) dst(%dma_wait3A_859 : memref<128x32xf32, #tpu.memory_space<vmem>>)
      %dma_wait3A_866 = arith.constant 2 : i32
      %dma_wait3A_867 = arith.constant 256 : i32
      %dma_wait3A_868 = arith.constant 0 : i32
      %dma_wait3A_869 = tpu.memref_slice %arg7[%dma_wait3A_867, %dma_wait3A_868] : memref<1024x32xf32, #tpu.memory_space<vmem>> -> memref<128x32xf32, #tpu.memory_space<vmem>>
      %dma_wait3A_870 = arith.constant 0 : i32
      %dma_wait3A_871 = tpu.memref_slice %arg5[%dma_wait3A_866, %dma_wait3A_870] : memref<8x128xi32, #tpu.memory_space<vmem>> -> memref<1x128xi32, #tpu.memory_space<vmem>>
      %dma_wait3A_872 = tpu.memref_squeeze %dma_wait3A_871 : memref<1x128xi32, #tpu.memory_space<vmem>> -> memref<128xi32, #tpu.memory_space<vmem>>
      %dma_wait3A_873 = arith.constant 0 : i32
      %dma_wait3A_874 = arith.constant 0 : i32
      %dma_wait3A_875 = tpu.memref_slice %arg3[%dma_wait3A_873, %dma_wait3A_874] : memref<100000x32xf32, #tpu.memory_space<hbm>> -> memref<100000x32xf32, #tpu.memory_space<hbm>>
      tpu.wait_indirect_dma semaphore(%arg11 : memref<!tpu.dma_semaphore, #tpu.memory_space<semaphore_mem>>) src(%dma_wait3A_875 : memref<100000x32xf32, #tpu.memory_space<hbm>>) dst(%dma_wait3A_869 : memref<128x32xf32, #tpu.memory_space<vmem>>)
      %dma_wait3A_876 = arith.constant 3 : i32
      %dma_wait3A_877 = arith.constant 384 : i32
      %dma_wait3A_878 = arith.constant 0 : i32
      %dma_wait3A_879 = tpu.memref_slice %arg7[%dma_wait3A_877, %dma_wait3A_878] : memref<1024x32xf32, #tpu.memory_space<vmem>> -> memref<128x32xf32, #tpu.memory_space<vmem>>
      %dma_wait3A_880 = arith.constant 0 : i32
      %dma_wait3A_881 = tpu.memref_slice %arg5[%dma_wait3A_876, %dma_wait3A_880] : memref<8x128xi32, #tpu.memory_space<vmem>> -> memref<1x128xi32, #tpu.memory_space<vmem>>
      %dma_wait3A_882 = tpu.memref_squeeze %dma_wait3A_881 : memref<1x128xi32, #tpu.memory_space<vmem>> -> memref<128xi32, #tpu.memory_space<vmem>>
      %dma_wait3A_883 = arith.constant 0 : i32
      %dma_wait3A_884 = arith.constant 0 : i32
      %dma_wait3A_885 = tpu.memref_slice %arg3[%dma_wait3A_883, %dma_wait3A_884] : memref<100000x32xf32, #tpu.memory_space<hbm>> -> memref<100000x32xf32, #tpu.memory_space<hbm>>
      tpu.wait_indirect_dma semaphore(%arg11 : memref<!tpu.dma_semaphore, #tpu.memory_space<semaphore_mem>>) src(%dma_wait3A_885 : memref<100000x32xf32, #tpu.memory_space<hbm>>) dst(%dma_wait3A_879 : memref<128x32xf32, #tpu.memory_space<vmem>>)
      %dma_wait3A_886 = arith.constant 4 : i32
      %dma_wait3A_887 = arith.constant 512 : i32
      %dma_wait3A_888 = arith.constant 0 : i32
      %dma_wait3A_889 = tpu.memref_slice %arg7[%dma_wait3A_887, %dma_wait3A_888] : memref<1024x32xf32, #tpu.memory_space<vmem>> -> memref<128x32xf32, #tpu.memory_space<vmem>>
      %dma_wait3A_890 = arith.constant 0 : i32
      %dma_wait3A_891 = tpu.memref_slice %arg5[%dma_wait3A_886, %dma_wait3A_890] : memref<8x128xi32, #tpu.memory_space<vmem>> -> memref<1x128xi32, #tpu.memory_space<vmem>>
      %dma_wait3A_892 = tpu.memref_squeeze %dma_wait3A_891 : memref<1x128xi32, #tpu.memory_space<vmem>> -> memref<128xi32, #tpu.memory_space<vmem>>
      %dma_wait3A_893 = arith.constant 0 : i32
      %dma_wait3A_894 = arith.constant 0 : i32
      %dma_wait3A_895 = tpu.memref_slice %arg3[%dma_wait3A_893, %dma_wait3A_894] : memref<100000x32xf32, #tpu.memory_space<hbm>> -> memref<100000x32xf32, #tpu.memory_space<hbm>>
      tpu.wait_indirect_dma semaphore(%arg11 : memref<!tpu.dma_semaphore, #tpu.memory_space<semaphore_mem>>) src(%dma_wait3A_895 : memref<100000x32xf32, #tpu.memory_space<hbm>>) dst(%dma_wait3A_889 : memref<128x32xf32, #tpu.memory_space<vmem>>)
      %dma_wait3A_896 = arith.constant 5 : i32
      %dma_wait3A_897 = arith.constant 640 : i32
      %dma_wait3A_898 = arith.constant 0 : i32
      %dma_wait3A_899 = tpu.memref_slice %arg7[%dma_wait3A_897, %dma_wait3A_898] : memref<1024x32xf32, #tpu.memory_space<vmem>> -> memref<128x32xf32, #tpu.memory_space<vmem>>
      %dma_wait3A_900 = arith.constant 0 : i32
      %dma_wait3A_901 = tpu.memref_slice %arg5[%dma_wait3A_896, %dma_wait3A_900] : memref<8x128xi32, #tpu.memory_space<vmem>> -> memref<1x128xi32, #tpu.memory_space<vmem>>
      %dma_wait3A_902 = tpu.memref_squeeze %dma_wait3A_901 : memref<1x128xi32, #tpu.memory_space<vmem>> -> memref<128xi32, #tpu.memory_space<vmem>>
      %dma_wait3A_903 = arith.constant 0 : i32
      %dma_wait3A_904 = arith.constant 0 : i32
      %dma_wait3A_905 = tpu.memref_slice %arg3[%dma_wait3A_903, %dma_wait3A_904] : memref<100000x32xf32, #tpu.memory_space<hbm>> -> memref<100000x32xf32, #tpu.memory_space<hbm>>
      tpu.wait_indirect_dma semaphore(%arg11 : memref<!tpu.dma_semaphore, #tpu.memory_space<semaphore_mem>>) src(%dma_wait3A_905 : memref<100000x32xf32, #tpu.memory_space<hbm>>) dst(%dma_wait3A_899 : memref<128x32xf32, #tpu.memory_space<vmem>>)
      %dma_wait3A_906 = arith.constant 6 : i32
      %dma_wait3A_907 = arith.constant 768 : i32
      %dma_wait3A_908 = arith.constant 0 : i32
      %dma_wait3A_909 = tpu.memref_slice %arg7[%dma_wait3A_907, %dma_wait3A_908] : memref<1024x32xf32, #tpu.memory_space<vmem>> -> memref<128x32xf32, #tpu.memory_space<vmem>>
      %dma_wait3A_910 = arith.constant 0 : i32
      %dma_wait3A_911 = tpu.memref_slice %arg5[%dma_wait3A_906, %dma_wait3A_910] : memref<8x128xi32, #tpu.memory_space<vmem>> -> memref<1x128xi32, #tpu.memory_space<vmem>>
      %dma_wait3A_912 = tpu.memref_squeeze %dma_wait3A_911 : memref<1x128xi32, #tpu.memory_space<vmem>> -> memref<128xi32, #tpu.memory_space<vmem>>
      %dma_wait3A_913 = arith.constant 0 : i32
      %dma_wait3A_914 = arith.constant 0 : i32
      %dma_wait3A_915 = tpu.memref_slice %arg3[%dma_wait3A_913, %dma_wait3A_914] : memref<100000x32xf32, #tpu.memory_space<hbm>> -> memref<100000x32xf32, #tpu.memory_space<hbm>>
      tpu.wait_indirect_dma semaphore(%arg11 : memref<!tpu.dma_semaphore, #tpu.memory_space<semaphore_mem>>) src(%dma_wait3A_915 : memref<100000x32xf32, #tpu.memory_space<hbm>>) dst(%dma_wait3A_909 : memref<128x32xf32, #tpu.memory_space<vmem>>)
      %dma_wait3A_916 = arith.constant 7 : i32
      %dma_wait3A_917 = arith.constant 896 : i32
      %dma_wait3A_918 = arith.constant 0 : i32
      %dma_wait3A_919 = tpu.memref_slice %arg7[%dma_wait3A_917, %dma_wait3A_918] : memref<1024x32xf32, #tpu.memory_space<vmem>> -> memref<128x32xf32, #tpu.memory_space<vmem>>
      %dma_wait3A_920 = arith.constant 0 : i32
      %dma_wait3A_921 = tpu.memref_slice %arg5[%dma_wait3A_916, %dma_wait3A_920] : memref<8x128xi32, #tpu.memory_space<vmem>> -> memref<1x128xi32, #tpu.memory_space<vmem>>
      %dma_wait3A_922 = tpu.memref_squeeze %dma_wait3A_921 : memref<1x128xi32, #tpu.memory_space<vmem>> -> memref<128xi32, #tpu.memory_space<vmem>>
      %dma_wait3A_923 = arith.constant 0 : i32
      %dma_wait3A_924 = arith.constant 0 : i32
      %dma_wait3A_925 = tpu.memref_slice %arg3[%dma_wait3A_923, %dma_wait3A_924] : memref<100000x32xf32, #tpu.memory_space<hbm>> -> memref<100000x32xf32, #tpu.memory_space<hbm>>
      tpu.wait_indirect_dma semaphore(%arg11 : memref<!tpu.dma_semaphore, #tpu.memory_space<semaphore_mem>>) src(%dma_wait3A_925 : memref<100000x32xf32, #tpu.memory_space<hbm>>) dst(%dma_wait3A_919 : memref<128x32xf32, #tpu.memory_space<vmem>>)
      %add3A_926 = arith.constant 2 : i32
      %add3A_927 = arith.addi %add3A_748, %add3A_926 : i32
      %mul3A_928 = arith.constant 8 : i32
      %mul3A_929 = arith.muli %add3A_927, %mul3A_928 : i32
      %add3A_930 = arith.addi %mul3A_4, %mul3A_929 : i32
      %dma_start3A_931 = arith.constant 0 : i32
      %dma_start3A_932 = tpu.memref_slice %arg2[%add3A_930, %dma_start3A_931] : memref<25600x128xi32, #tpu.memory_space<hbm>> -> memref<8x128xi32, #tpu.memory_space<hbm>>
      %dma_start3A_933 = arith.constant 0 : i32
      %dma_start3A_934 = tpu.memref_slice %arg2[%add3A_930, %dma_start3A_933] : memref<25600x128xi32, #tpu.memory_space<hbm>> -> memref<8x128xi32, #tpu.memory_space<hbm>>
      tpu.enqueue_dma source(%dma_start3A_934 : memref<8x128xi32, #tpu.memory_space<hbm>>) target(%arg5 : memref<8x128xi32, #tpu.memory_space<vmem>>) target_semaphore(%arg9 : memref<!tpu.dma_semaphore, #tpu.memory_space<semaphore_mem>>)
      %mul3A_935 = arith.constant 1024 : i32
      %mul3A_936 = arith.muli %add3A_748, %mul3A_935 : i32
      %add3A_937 = arith.addi %mul3A_2, %mul3A_936 : i32
      %dma_start3A_938 = arith.constant 0 : i32
      %dma_start3A_939 = tpu.memref_slice %arg4[%add3A_937, %dma_start3A_938] : memref<3276800x32xf32, #tpu.memory_space<hbm>> -> memref<1024x32xf32, #tpu.memory_space<hbm>>
      %dma_start3A_940 = arith.constant 0 : i32
      %dma_start3A_941 = tpu.memref_slice %arg4[%add3A_937, %dma_start3A_940] : memref<3276800x32xf32, #tpu.memory_space<hbm>> -> memref<1024x32xf32, #tpu.memory_space<hbm>>
      tpu.enqueue_dma source(%arg7 : memref<1024x32xf32, #tpu.memory_space<vmem>>) target(%dma_start3A_941 : memref<1024x32xf32, #tpu.memory_space<hbm>>) target_semaphore(%arg13 : memref<!tpu.dma_semaphore, #tpu.memory_space<semaphore_mem>>)
      %add3A_942 = arith.constant 1 : i32
      %add3A_943 = arith.addi %add3A_748, %add3A_942 : i32
      %add3A_944 = arith.constant 1 : i32
      %add3A_945 = arith.addi %add3A_943, %add3A_944 : i32
      %mul3A_946 = arith.constant 8 : i32
      %mul3A_947 = arith.muli %add3A_945, %mul3A_946 : i32
      %add3A_948 = arith.addi %mul3A_4, %mul3A_947 : i32
      %dma_wait3A_949 = arith.constant 0 : i32
      %dma_wait3A_950 = tpu.memref_slice %arg2[%add3A_948, %dma_wait3A_949] : memref<25600x128xi32, #tpu.memory_space<hbm>> -> memref<8x128xi32, #tpu.memory_space<hbm>>
      %dma_wait3A_951 = arith.constant 0 : i32
      %dma_wait3A_952 = tpu.memref_slice %arg2[%add3A_948, %dma_wait3A_951] : memref<25600x128xi32, #tpu.memory_space<hbm>> -> memref<8x128xi32, #tpu.memory_space<hbm>>
      tpu.wait_dma2 semaphore(%arg9 : memref<!tpu.dma_semaphore, #tpu.memory_space<semaphore_mem>>) src(%dma_wait3A_952 : memref<8x128xi32, #tpu.memory_space<hbm>>) dst(%arg5 : memref<8x128xi32, #tpu.memory_space<vmem>>)
      %sub3A_953 = arith.constant 1 : i32
      %sub3A_954 = arith.subi %add3A_943, %sub3A_953 : i32
      %mul3A_955 = arith.constant 1024 : i32
      %mul3A_956 = arith.muli %sub3A_954, %mul3A_955 : i32
      %add3A_957 = arith.addi %mul3A_2, %mul3A_956 : i32
      %dma_wait3A_958 = arith.constant 0 : i32
      %dma_wait3A_959 = tpu.memref_slice %arg4[%add3A_957, %dma_wait3A_958] : memref<3276800x32xf32, #tpu.memory_space<hbm>> -> memref<1024x32xf32, #tpu.memory_space<hbm>>
      %dma_wait3A_960 = arith.constant 0 : i32
      %dma_wait3A_961 = tpu.memref_slice %arg4[%add3A_957, %dma_wait3A_960] : memref<3276800x32xf32, #tpu.memory_space<hbm>> -> memref<1024x32xf32, #tpu.memory_space<hbm>>
      tpu.wait_dma2 semaphore(%arg13 : memref<!tpu.dma_semaphore, #tpu.memory_space<semaphore_mem>>) src(%arg7 : memref<1024x32xf32, #tpu.memory_space<vmem>>) dst(%dma_wait3A_961 : memref<1024x32xf32, #tpu.memory_space<hbm>>)
      %dma_start3A_962 = arith.constant 0 : i32
      %dma_start3A_963 = arith.constant 0 : i32
      %dma_start3A_964 = arith.constant 0 : i32
      %dma_start3A_965 = tpu.memref_slice %arg7[%dma_start3A_963, %dma_start3A_964] : memref<1024x32xf32, #tpu.memory_space<vmem>> -> memref<128x32xf32, #tpu.memory_space<vmem>>
      %dma_start3A_966 = arith.constant 0 : i32
      %dma_start3A_967 = tpu.memref_slice %arg5[%dma_start3A_962, %dma_start3A_966] : memref<8x128xi32, #tpu.memory_space<vmem>> -> memref<1x128xi32, #tpu.memory_space<vmem>>
      %dma_start3A_968 = tpu.memref_squeeze %dma_start3A_967 : memref<1x128xi32, #tpu.memory_space<vmem>> -> memref<128xi32, #tpu.memory_space<vmem>>
      %dma_start3A_969 = arith.constant 0 : i32
      %dma_start3A_970 = arith.constant 0 : i32
      %dma_start3A_971 = tpu.memref_slice %arg3[%dma_start3A_969, %dma_start3A_970] : memref<100000x32xf32, #tpu.memory_space<hbm>> -> memref<100000x32xf32, #tpu.memory_space<hbm>>
      tpu.enqueue_indirect_dma source(%dma_start3A_971 : memref<100000x32xf32, #tpu.memory_space<hbm>>) target(%dma_start3A_965 : memref<128x32xf32, #tpu.memory_space<vmem>>) offsets(%dma_start3A_968 : memref<128xi32, #tpu.memory_space<vmem>>) semaphore(%arg11 : memref<!tpu.dma_semaphore, #tpu.memory_space<semaphore_mem>>)
      %dma_start3A_972 = arith.constant 1 : i32
      %dma_start3A_973 = arith.constant 128 : i32
      %dma_start3A_974 = arith.constant 0 : i32
      %dma_start3A_975 = tpu.memref_slice %arg7[%dma_start3A_973, %dma_start3A_974] : memref<1024x32xf32, #tpu.memory_space<vmem>> -> memref<128x32xf32, #tpu.memory_space<vmem>>
      %dma_start3A_976 = arith.constant 0 : i32
      %dma_start3A_977 = tpu.memref_slice %arg5[%dma_start3A_972, %dma_start3A_976] : memref<8x128xi32, #tpu.memory_space<vmem>> -> memref<1x128xi32, #tpu.memory_space<vmem>>
      %dma_start3A_978 = tpu.memref_squeeze %dma_start3A_977 : memref<1x128xi32, #tpu.memory_space<vmem>> -> memref<128xi32, #tpu.memory_space<vmem>>
      %dma_start3A_979 = arith.constant 0 : i32
      %dma_start3A_980 = arith.constant 0 : i32
      %dma_start3A_981 = tpu.memref_slice %arg3[%dma_start3A_979, %dma_start3A_980] : memref<100000x32xf32, #tpu.memory_space<hbm>> -> memref<100000x32xf32, #tpu.memory_space<hbm>>
      tpu.enqueue_indirect_dma source(%dma_start3A_981 : memref<100000x32xf32, #tpu.memory_space<hbm>>) target(%dma_start3A_975 : memref<128x32xf32, #tpu.memory_space<vmem>>) offsets(%dma_start3A_978 : memref<128xi32, #tpu.memory_space<vmem>>) semaphore(%arg11 : memref<!tpu.dma_semaphore, #tpu.memory_space<semaphore_mem>>)
      %dma_start3A_982 = arith.constant 2 : i32
      %dma_start3A_983 = arith.constant 256 : i32
      %dma_start3A_984 = arith.constant 0 : i32
      %dma_start3A_985 = tpu.memref_slice %arg7[%dma_start3A_983, %dma_start3A_984] : memref<1024x32xf32, #tpu.memory_space<vmem>> -> memref<128x32xf32, #tpu.memory_space<vmem>>
      %dma_start3A_986 = arith.constant 0 : i32
      %dma_start3A_987 = tpu.memref_slice %arg5[%dma_start3A_982, %dma_start3A_986] : memref<8x128xi32, #tpu.memory_space<vmem>> -> memref<1x128xi32, #tpu.memory_space<vmem>>
      %dma_start3A_988 = tpu.memref_squeeze %dma_start3A_987 : memref<1x128xi32, #tpu.memory_space<vmem>> -> memref<128xi32, #tpu.memory_space<vmem>>
      %dma_start3A_989 = arith.constant 0 : i32
      %dma_start3A_990 = arith.constant 0 : i32
      %dma_start3A_991 = tpu.memref_slice %arg3[%dma_start3A_989, %dma_start3A_990] : memref<100000x32xf32, #tpu.memory_space<hbm>> -> memref<100000x32xf32, #tpu.memory_space<hbm>>
      tpu.enqueue_indirect_dma source(%dma_start3A_991 : memref<100000x32xf32, #tpu.memory_space<hbm>>) target(%dma_start3A_985 : memref<128x32xf32, #tpu.memory_space<vmem>>) offsets(%dma_start3A_988 : memref<128xi32, #tpu.memory_space<vmem>>) semaphore(%arg11 : memref<!tpu.dma_semaphore, #tpu.memory_space<semaphore_mem>>)
      %dma_start3A_992 = arith.constant 3 : i32
      %dma_start3A_993 = arith.constant 384 : i32
      %dma_start3A_994 = arith.constant 0 : i32
      %dma_start3A_995 = tpu.memref_slice %arg7[%dma_start3A_993, %dma_start3A_994] : memref<1024x32xf32, #tpu.memory_space<vmem>> -> memref<128x32xf32, #tpu.memory_space<vmem>>
      %dma_start3A_996 = arith.constant 0 : i32
      %dma_start3A_997 = tpu.memref_slice %arg5[%dma_start3A_992, %dma_start3A_996] : memref<8x128xi32, #tpu.memory_space<vmem>> -> memref<1x128xi32, #tpu.memory_space<vmem>>
      %dma_start3A_998 = tpu.memref_squeeze %dma_start3A_997 : memref<1x128xi32, #tpu.memory_space<vmem>> -> memref<128xi32, #tpu.memory_space<vmem>>
      %dma_start3A_999 = arith.constant 0 : i32
      %dma_start3A_1000 = arith.constant 0 : i32
      %dma_start3A_1001 = tpu.memref_slice %arg3[%dma_start3A_999, %dma_start3A_1000] : memref<100000x32xf32, #tpu.memory_space<hbm>> -> memref<100000x32xf32, #tpu.memory_space<hbm>>
      tpu.enqueue_indirect_dma source(%dma_start3A_1001 : memref<100000x32xf32, #tpu.memory_space<hbm>>) target(%dma_start3A_995 : memref<128x32xf32, #tpu.memory_space<vmem>>) offsets(%dma_start3A_998 : memref<128xi32, #tpu.memory_space<vmem>>) semaphore(%arg11 : memref<!tpu.dma_semaphore, #tpu.memory_space<semaphore_mem>>)
      %dma_start3A_1002 = arith.constant 4 : i32
      %dma_start3A_1003 = arith.constant 512 : i32
      %dma_start3A_1004 = arith.constant 0 : i32
      %dma_start3A_1005 = tpu.memref_slice %arg7[%dma_start3A_1003, %dma_start3A_1004] : memref<1024x32xf32, #tpu.memory_space<vmem>> -> memref<128x32xf32, #tpu.memory_space<vmem>>
      %dma_start3A_1006 = arith.constant 0 : i32
      %dma_start3A_1007 = tpu.memref_slice %arg5[%dma_start3A_1002, %dma_start3A_1006] : memref<8x128xi32, #tpu.memory_space<vmem>> -> memref<1x128xi32, #tpu.memory_space<vmem>>
      %dma_start3A_1008 = tpu.memref_squeeze %dma_start3A_1007 : memref<1x128xi32, #tpu.memory_space<vmem>> -> memref<128xi32, #tpu.memory_space<vmem>>
      %dma_start3A_1009 = arith.constant 0 : i32
      %dma_start3A_1010 = arith.constant 0 : i32
      %dma_start3A_1011 = tpu.memref_slice %arg3[%dma_start3A_1009, %dma_start3A_1010] : memref<100000x32xf32, #tpu.memory_space<hbm>> -> memref<100000x32xf32, #tpu.memory_space<hbm>>
      tpu.enqueue_indirect_dma source(%dma_start3A_1011 : memref<100000x32xf32, #tpu.memory_space<hbm>>) target(%dma_start3A_1005 : memref<128x32xf32, #tpu.memory_space<vmem>>) offsets(%dma_start3A_1008 : memref<128xi32, #tpu.memory_space<vmem>>) semaphore(%arg11 : memref<!tpu.dma_semaphore, #tpu.memory_space<semaphore_mem>>)
      %dma_start3A_1012 = arith.constant 5 : i32
      %dma_start3A_1013 = arith.constant 640 : i32
      %dma_start3A_1014 = arith.constant 0 : i32
      %dma_start3A_1015 = tpu.memref_slice %arg7[%dma_start3A_1013, %dma_start3A_1014] : memref<1024x32xf32, #tpu.memory_space<vmem>> -> memref<128x32xf32, #tpu.memory_space<vmem>>
      %dma_start3A_1016 = arith.constant 0 : i32
      %dma_start3A_1017 = tpu.memref_slice %arg5[%dma_start3A_1012, %dma_start3A_1016] : memref<8x128xi32, #tpu.memory_space<vmem>> -> memref<1x128xi32, #tpu.memory_space<vmem>>
      %dma_start3A_1018 = tpu.memref_squeeze %dma_start3A_1017 : memref<1x128xi32, #tpu.memory_space<vmem>> -> memref<128xi32, #tpu.memory_space<vmem>>
      %dma_start3A_1019 = arith.constant 0 : i32
      %dma_start3A_1020 = arith.constant 0 : i32
      %dma_start3A_1021 = tpu.memref_slice %arg3[%dma_start3A_1019, %dma_start3A_1020] : memref<100000x32xf32, #tpu.memory_space<hbm>> -> memref<100000x32xf32, #tpu.memory_space<hbm>>
      tpu.enqueue_indirect_dma source(%dma_start3A_1021 : memref<100000x32xf32, #tpu.memory_space<hbm>>) target(%dma_start3A_1015 : memref<128x32xf32, #tpu.memory_space<vmem>>) offsets(%dma_start3A_1018 : memref<128xi32, #tpu.memory_space<vmem>>) semaphore(%arg11 : memref<!tpu.dma_semaphore, #tpu.memory_space<semaphore_mem>>)
      %dma_start3A_1022 = arith.constant 6 : i32
      %dma_start3A_1023 = arith.constant 768 : i32
      %dma_start3A_1024 = arith.constant 0 : i32
      %dma_start3A_1025 = tpu.memref_slice %arg7[%dma_start3A_1023, %dma_start3A_1024] : memref<1024x32xf32, #tpu.memory_space<vmem>> -> memref<128x32xf32, #tpu.memory_space<vmem>>
      %dma_start3A_1026 = arith.constant 0 : i32
      %dma_start3A_1027 = tpu.memref_slice %arg5[%dma_start3A_1022, %dma_start3A_1026] : memref<8x128xi32, #tpu.memory_space<vmem>> -> memref<1x128xi32, #tpu.memory_space<vmem>>
      %dma_start3A_1028 = tpu.memref_squeeze %dma_start3A_1027 : memref<1x128xi32, #tpu.memory_space<vmem>> -> memref<128xi32, #tpu.memory_space<vmem>>
      %dma_start3A_1029 = arith.constant 0 : i32
      %dma_start3A_1030 = arith.constant 0 : i32
      %dma_start3A_1031 = tpu.memref_slice %arg3[%dma_start3A_1029, %dma_start3A_1030] : memref<100000x32xf32, #tpu.memory_space<hbm>> -> memref<100000x32xf32, #tpu.memory_space<hbm>>
      tpu.enqueue_indirect_dma source(%dma_start3A_1031 : memref<100000x32xf32, #tpu.memory_space<hbm>>) target(%dma_start3A_1025 : memref<128x32xf32, #tpu.memory_space<vmem>>) offsets(%dma_start3A_1028 : memref<128xi32, #tpu.memory_space<vmem>>) semaphore(%arg11 : memref<!tpu.dma_semaphore, #tpu.memory_space<semaphore_mem>>)
      %dma_start3A_1032 = arith.constant 7 : i32
      %dma_start3A_1033 = arith.constant 896 : i32
      %dma_start3A_1034 = arith.constant 0 : i32
      %dma_start3A_1035 = tpu.memref_slice %arg7[%dma_start3A_1033, %dma_start3A_1034] : memref<1024x32xf32, #tpu.memory_space<vmem>> -> memref<128x32xf32, #tpu.memory_space<vmem>>
      %dma_start3A_1036 = arith.constant 0 : i32
      %dma_start3A_1037 = tpu.memref_slice %arg5[%dma_start3A_1032, %dma_start3A_1036] : memref<8x128xi32, #tpu.memory_space<vmem>> -> memref<1x128xi32, #tpu.memory_space<vmem>>
      %dma_start3A_1038 = tpu.memref_squeeze %dma_start3A_1037 : memref<1x128xi32, #tpu.memory_space<vmem>> -> memref<128xi32, #tpu.memory_space<vmem>>
      %dma_start3A_1039 = arith.constant 0 : i32
      %dma_start3A_1040 = arith.constant 0 : i32
      %dma_start3A_1041 = tpu.memref_slice %arg3[%dma_start3A_1039, %dma_start3A_1040] : memref<100000x32xf32, #tpu.memory_space<hbm>> -> memref<100000x32xf32, #tpu.memory_space<hbm>>
      tpu.enqueue_indirect_dma source(%dma_start3A_1041 : memref<100000x32xf32, #tpu.memory_space<hbm>>) target(%dma_start3A_1035 : memref<128x32xf32, #tpu.memory_space<vmem>>) offsets(%dma_start3A_1038 : memref<128xi32, #tpu.memory_space<vmem>>) semaphore(%arg11 : memref<!tpu.dma_semaphore, #tpu.memory_space<semaphore_mem>>)
      %dma_wait3A_1042 = arith.constant 0 : i32
      %dma_wait3A_1043 = arith.constant 0 : i32
      %dma_wait3A_1044 = arith.constant 0 : i32
      %dma_wait3A_1045 = tpu.memref_slice %arg8[%dma_wait3A_1043, %dma_wait3A_1044] : memref<1024x32xf32, #tpu.memory_space<vmem>> -> memref<128x32xf32, #tpu.memory_space<vmem>>
      %dma_wait3A_1046 = arith.constant 0 : i32
      %dma_wait3A_1047 = tpu.memref_slice %arg6[%dma_wait3A_1042, %dma_wait3A_1046] : memref<8x128xi32, #tpu.memory_space<vmem>> -> memref<1x128xi32, #tpu.memory_space<vmem>>
      %dma_wait3A_1048 = tpu.memref_squeeze %dma_wait3A_1047 : memref<1x128xi32, #tpu.memory_space<vmem>> -> memref<128xi32, #tpu.memory_space<vmem>>
      %dma_wait3A_1049 = arith.constant 0 : i32
      %dma_wait3A_1050 = arith.constant 0 : i32
      %dma_wait3A_1051 = tpu.memref_slice %arg3[%dma_wait3A_1049, %dma_wait3A_1050] : memref<100000x32xf32, #tpu.memory_space<hbm>> -> memref<100000x32xf32, #tpu.memory_space<hbm>>
      tpu.wait_indirect_dma semaphore(%arg12 : memref<!tpu.dma_semaphore, #tpu.memory_space<semaphore_mem>>) src(%dma_wait3A_1051 : memref<100000x32xf32, #tpu.memory_space<hbm>>) dst(%dma_wait3A_1045 : memref<128x32xf32, #tpu.memory_space<vmem>>)
      %dma_wait3A_1052 = arith.constant 1 : i32
      %dma_wait3A_1053 = arith.constant 128 : i32
      %dma_wait3A_1054 = arith.constant 0 : i32
      %dma_wait3A_1055 = tpu.memref_slice %arg8[%dma_wait3A_1053, %dma_wait3A_1054] : memref<1024x32xf32, #tpu.memory_space<vmem>> -> memref<128x32xf32, #tpu.memory_space<vmem>>
      %dma_wait3A_1056 = arith.constant 0 : i32
      %dma_wait3A_1057 = tpu.memref_slice %arg6[%dma_wait3A_1052, %dma_wait3A_1056] : memref<8x128xi32, #tpu.memory_space<vmem>> -> memref<1x128xi32, #tpu.memory_space<vmem>>
      %dma_wait3A_1058 = tpu.memref_squeeze %dma_wait3A_1057 : memref<1x128xi32, #tpu.memory_space<vmem>> -> memref<128xi32, #tpu.memory_space<vmem>>
      %dma_wait3A_1059 = arith.constant 0 : i32
      %dma_wait3A_1060 = arith.constant 0 : i32
      %dma_wait3A_1061 = tpu.memref_slice %arg3[%dma_wait3A_1059, %dma_wait3A_1060] : memref<100000x32xf32, #tpu.memory_space<hbm>> -> memref<100000x32xf32, #tpu.memory_space<hbm>>
      tpu.wait_indirect_dma semaphore(%arg12 : memref<!tpu.dma_semaphore, #tpu.memory_space<semaphore_mem>>) src(%dma_wait3A_1061 : memref<100000x32xf32, #tpu.memory_space<hbm>>) dst(%dma_wait3A_1055 : memref<128x32xf32, #tpu.memory_space<vmem>>)
      %dma_wait3A_1062 = arith.constant 2 : i32
      %dma_wait3A_1063 = arith.constant 256 : i32
      %dma_wait3A_1064 = arith.constant 0 : i32
      %dma_wait3A_1065 = tpu.memref_slice %arg8[%dma_wait3A_1063, %dma_wait3A_1064] : memref<1024x32xf32, #tpu.memory_space<vmem>> -> memref<128x32xf32, #tpu.memory_space<vmem>>
      %dma_wait3A_1066 = arith.constant 0 : i32
      %dma_wait3A_1067 = tpu.memref_slice %arg6[%dma_wait3A_1062, %dma_wait3A_1066] : memref<8x128xi32, #tpu.memory_space<vmem>> -> memref<1x128xi32, #tpu.memory_space<vmem>>
      %dma_wait3A_1068 = tpu.memref_squeeze %dma_wait3A_1067 : memref<1x128xi32, #tpu.memory_space<vmem>> -> memref<128xi32, #tpu.memory_space<vmem>>
      %dma_wait3A_1069 = arith.constant 0 : i32
      %dma_wait3A_1070 = arith.constant 0 : i32
      %dma_wait3A_1071 = tpu.memref_slice %arg3[%dma_wait3A_1069, %dma_wait3A_1070] : memref<100000x32xf32, #tpu.memory_space<hbm>> -> memref<100000x32xf32, #tpu.memory_space<hbm>>
      tpu.wait_indirect_dma semaphore(%arg12 : memref<!tpu.dma_semaphore, #tpu.memory_space<semaphore_mem>>) src(%dma_wait3A_1071 : memref<100000x32xf32, #tpu.memory_space<hbm>>) dst(%dma_wait3A_1065 : memref<128x32xf32, #tpu.memory_space<vmem>>)
      %dma_wait3A_1072 = arith.constant 3 : i32
      %dma_wait3A_1073 = arith.constant 384 : i32
      %dma_wait3A_1074 = arith.constant 0 : i32
      %dma_wait3A_1075 = tpu.memref_slice %arg8[%dma_wait3A_1073, %dma_wait3A_1074] : memref<1024x32xf32, #tpu.memory_space<vmem>> -> memref<128x32xf32, #tpu.memory_space<vmem>>
      %dma_wait3A_1076 = arith.constant 0 : i32
      %dma_wait3A_1077 = tpu.memref_slice %arg6[%dma_wait3A_1072, %dma_wait3A_1076] : memref<8x128xi32, #tpu.memory_space<vmem>> -> memref<1x128xi32, #tpu.memory_space<vmem>>
      %dma_wait3A_1078 = tpu.memref_squeeze %dma_wait3A_1077 : memref<1x128xi32, #tpu.memory_space<vmem>> -> memref<128xi32, #tpu.memory_space<vmem>>
      %dma_wait3A_1079 = arith.constant 0 : i32
      %dma_wait3A_1080 = arith.constant 0 : i32
      %dma_wait3A_1081 = tpu.memref_slice %arg3[%dma_wait3A_1079, %dma_wait3A_1080] : memref<100000x32xf32, #tpu.memory_space<hbm>> -> memref<100000x32xf32, #tpu.memory_space<hbm>>
      tpu.wait_indirect_dma semaphore(%arg12 : memref<!tpu.dma_semaphore, #tpu.memory_space<semaphore_mem>>) src(%dma_wait3A_1081 : memref<100000x32xf32, #tpu.memory_space<hbm>>) dst(%dma_wait3A_1075 : memref<128x32xf32, #tpu.memory_space<vmem>>)
      %dma_wait3A_1082 = arith.constant 4 : i32
      %dma_wait3A_1083 = arith.constant 512 : i32
      %dma_wait3A_1084 = arith.constant 0 : i32
      %dma_wait3A_1085 = tpu.memref_slice %arg8[%dma_wait3A_1083, %dma_wait3A_1084] : memref<1024x32xf32, #tpu.memory_space<vmem>> -> memref<128x32xf32, #tpu.memory_space<vmem>>
      %dma_wait3A_1086 = arith.constant 0 : i32
      %dma_wait3A_1087 = tpu.memref_slice %arg6[%dma_wait3A_1082, %dma_wait3A_1086] : memref<8x128xi32, #tpu.memory_space<vmem>> -> memref<1x128xi32, #tpu.memory_space<vmem>>
      %dma_wait3A_1088 = tpu.memref_squeeze %dma_wait3A_1087 : memref<1x128xi32, #tpu.memory_space<vmem>> -> memref<128xi32, #tpu.memory_space<vmem>>
      %dma_wait3A_1089 = arith.constant 0 : i32
      %dma_wait3A_1090 = arith.constant 0 : i32
      %dma_wait3A_1091 = tpu.memref_slice %arg3[%dma_wait3A_1089, %dma_wait3A_1090] : memref<100000x32xf32, #tpu.memory_space<hbm>> -> memref<100000x32xf32, #tpu.memory_space<hbm>>
      tpu.wait_indirect_dma semaphore(%arg12 : memref<!tpu.dma_semaphore, #tpu.memory_space<semaphore_mem>>) src(%dma_wait3A_1091 : memref<100000x32xf32, #tpu.memory_space<hbm>>) dst(%dma_wait3A_1085 : memref<128x32xf32, #tpu.memory_space<vmem>>)
      %dma_wait3A_1092 = arith.constant 5 : i32
      %dma_wait3A_1093 = arith.constant 640 : i32
      %dma_wait3A_1094 = arith.constant 0 : i32
      %dma_wait3A_1095 = tpu.memref_slice %arg8[%dma_wait3A_1093, %dma_wait3A_1094] : memref<1024x32xf32, #tpu.memory_space<vmem>> -> memref<128x32xf32, #tpu.memory_space<vmem>>
      %dma_wait3A_1096 = arith.constant 0 : i32
      %dma_wait3A_1097 = tpu.memref_slice %arg6[%dma_wait3A_1092, %dma_wait3A_1096] : memref<8x128xi32, #tpu.memory_space<vmem>> -> memref<1x128xi32, #tpu.memory_space<vmem>>
      %dma_wait3A_1098 = tpu.memref_squeeze %dma_wait3A_1097 : memref<1x128xi32, #tpu.memory_space<vmem>> -> memref<128xi32, #tpu.memory_space<vmem>>
      %dma_wait3A_1099 = arith.constant 0 : i32
      %dma_wait3A_1100 = arith.constant 0 : i32
      %dma_wait3A_1101 = tpu.memref_slice %arg3[%dma_wait3A_1099, %dma_wait3A_1100] : memref<100000x32xf32, #tpu.memory_space<hbm>> -> memref<100000x32xf32, #tpu.memory_space<hbm>>
      tpu.wait_indirect_dma semaphore(%arg12 : memref<!tpu.dma_semaphore, #tpu.memory_space<semaphore_mem>>) src(%dma_wait3A_1101 : memref<100000x32xf32, #tpu.memory_space<hbm>>) dst(%dma_wait3A_1095 : memref<128x32xf32, #tpu.memory_space<vmem>>)
      %dma_wait3A_1102 = arith.constant 6 : i32
      %dma_wait3A_1103 = arith.constant 768 : i32
      %dma_wait3A_1104 = arith.constant 0 : i32
      %dma_wait3A_1105 = tpu.memref_slice %arg8[%dma_wait3A_1103, %dma_wait3A_1104] : memref<1024x32xf32, #tpu.memory_space<vmem>> -> memref<128x32xf32, #tpu.memory_space<vmem>>
      %dma_wait3A_1106 = arith.constant 0 : i32
      %dma_wait3A_1107 = tpu.memref_slice %arg6[%dma_wait3A_1102, %dma_wait3A_1106] : memref<8x128xi32, #tpu.memory_space<vmem>> -> memref<1x128xi32, #tpu.memory_space<vmem>>
      %dma_wait3A_1108 = tpu.memref_squeeze %dma_wait3A_1107 : memref<1x128xi32, #tpu.memory_space<vmem>> -> memref<128xi32, #tpu.memory_space<vmem>>
      %dma_wait3A_1109 = arith.constant 0 : i32
      %dma_wait3A_1110 = arith.constant 0 : i32
      %dma_wait3A_1111 = tpu.memref_slice %arg3[%dma_wait3A_1109, %dma_wait3A_1110] : memref<100000x32xf32, #tpu.memory_space<hbm>> -> memref<100000x32xf32, #tpu.memory_space<hbm>>
      tpu.wait_indirect_dma semaphore(%arg12 : memref<!tpu.dma_semaphore, #tpu.memory_space<semaphore_mem>>) src(%dma_wait3A_1111 : memref<100000x32xf32, #tpu.memory_space<hbm>>) dst(%dma_wait3A_1105 : memref<128x32xf32, #tpu.memory_space<vmem>>)
      %dma_wait3A_1112 = arith.constant 7 : i32
      %dma_wait3A_1113 = arith.constant 896 : i32
      %dma_wait3A_1114 = arith.constant 0 : i32
      %dma_wait3A_1115 = tpu.memref_slice %arg8[%dma_wait3A_1113, %dma_wait3A_1114] : memref<1024x32xf32, #tpu.memory_space<vmem>> -> memref<128x32xf32, #tpu.memory_space<vmem>>
      %dma_wait3A_1116 = arith.constant 0 : i32
      %dma_wait3A_1117 = tpu.memref_slice %arg6[%dma_wait3A_1112, %dma_wait3A_1116] : memref<8x128xi32, #tpu.memory_space<vmem>> -> memref<1x128xi32, #tpu.memory_space<vmem>>
      %dma_wait3A_1118 = tpu.memref_squeeze %dma_wait3A_1117 : memref<1x128xi32, #tpu.memory_space<vmem>> -> memref<128xi32, #tpu.memory_space<vmem>>
      %dma_wait3A_1119 = arith.constant 0 : i32
      %dma_wait3A_1120 = arith.constant 0 : i32
      %dma_wait3A_1121 = tpu.memref_slice %arg3[%dma_wait3A_1119, %dma_wait3A_1120] : memref<100000x32xf32, #tpu.memory_space<hbm>> -> memref<100000x32xf32, #tpu.memory_space<hbm>>
      tpu.wait_indirect_dma semaphore(%arg12 : memref<!tpu.dma_semaphore, #tpu.memory_space<semaphore_mem>>) src(%dma_wait3A_1121 : memref<100000x32xf32, #tpu.memory_space<hbm>>) dst(%dma_wait3A_1115 : memref<128x32xf32, #tpu.memory_space<vmem>>)
      %add3A_1122 = arith.constant 2 : i32
      %add3A_1123 = arith.addi %add3A_943, %add3A_1122 : i32
      %mul3A_1124 = arith.constant 8 : i32
      %mul3A_1125 = arith.muli %add3A_1123, %mul3A_1124 : i32
      %add3A_1126 = arith.addi %mul3A_4, %mul3A_1125 : i32
      %dma_start3A_1127 = arith.constant 0 : i32
      %dma_start3A_1128 = tpu.memref_slice %arg2[%add3A_1126, %dma_start3A_1127] : memref<25600x128xi32, #tpu.memory_space<hbm>> -> memref<8x128xi32, #tpu.memory_space<hbm>>
      %dma_start3A_1129 = arith.constant 0 : i32
      %dma_start3A_1130 = tpu.memref_slice %arg2[%add3A_1126, %dma_start3A_1129] : memref<25600x128xi32, #tpu.memory_space<hbm>> -> memref<8x128xi32, #tpu.memory_space<hbm>>
      tpu.enqueue_dma source(%dma_start3A_1130 : memref<8x128xi32, #tpu.memory_space<hbm>>) target(%arg6 : memref<8x128xi32, #tpu.memory_space<vmem>>) target_semaphore(%arg10 : memref<!tpu.dma_semaphore, #tpu.memory_space<semaphore_mem>>)
      %mul3A_1131 = arith.constant 1024 : i32
      %mul3A_1132 = arith.muli %add3A_943, %mul3A_1131 : i32
      %add3A_1133 = arith.addi %mul3A_2, %mul3A_1132 : i32
      %dma_start3A_1134 = arith.constant 0 : i32
      %dma_start3A_1135 = tpu.memref_slice %arg4[%add3A_1133, %dma_start3A_1134] : memref<3276800x32xf32, #tpu.memory_space<hbm>> -> memref<1024x32xf32, #tpu.memory_space<hbm>>
      %dma_start3A_1136 = arith.constant 0 : i32
      %dma_start3A_1137 = tpu.memref_slice %arg4[%add3A_1133, %dma_start3A_1136] : memref<3276800x32xf32, #tpu.memory_space<hbm>> -> memref<1024x32xf32, #tpu.memory_space<hbm>>
      tpu.enqueue_dma source(%arg8 : memref<1024x32xf32, #tpu.memory_space<vmem>>) target(%dma_start3A_1137 : memref<1024x32xf32, #tpu.memory_space<hbm>>) target_semaphore(%arg14 : memref<!tpu.dma_semaphore, #tpu.memory_space<semaphore_mem>>)
    }
    %scan3A_467 = arith.constant 48 : i32
    %add3A_468 = arith.constant 792 : i32
    %add3A_469 = arith.addi %mul3A_4, %add3A_468 : i32
    %dma_wait3A_470 = arith.constant 0 : i32
    %dma_wait3A_471 = tpu.memref_slice %arg2[%add3A_469, %dma_wait3A_470] : memref<25600x128xi32, #tpu.memory_space<hbm>> -> memref<8x128xi32, #tpu.memory_space<hbm>>
    %dma_wait3A_472 = arith.constant 0 : i32
    %dma_wait3A_473 = tpu.memref_slice %arg2[%add3A_469, %dma_wait3A_472] : memref<25600x128xi32, #tpu.memory_space<hbm>> -> memref<8x128xi32, #tpu.memory_space<hbm>>
    tpu.wait_dma2 semaphore(%arg10 : memref<!tpu.dma_semaphore, #tpu.memory_space<semaphore_mem>>) src(%dma_wait3A_473 : memref<8x128xi32, #tpu.memory_space<hbm>>) dst(%arg6 : memref<8x128xi32, #tpu.memory_space<vmem>>)
    %add3A_474 = arith.constant 99328 : i32
    %add3A_475 = arith.addi %mul3A_2, %add3A_474 : i32
    %dma_wait3A_476 = arith.constant 0 : i32
    %dma_wait3A_477 = tpu.memref_slice %arg4[%add3A_475, %dma_wait3A_476] : memref<3276800x32xf32, #tpu.memory_space<hbm>> -> memref<1024x32xf32, #tpu.memory_space<hbm>>
    %dma_wait3A_478 = arith.constant 0 : i32
    %dma_wait3A_479 = tpu.memref_slice %arg4[%add3A_475, %dma_wait3A_478] : memref<3276800x32xf32, #tpu.memory_space<hbm>> -> memref<1024x32xf32, #tpu.memory_space<hbm>>
    tpu.wait_dma2 semaphore(%arg14 : memref<!tpu.dma_semaphore, #tpu.memory_space<semaphore_mem>>) src(%arg8 : memref<1024x32xf32, #tpu.memory_space<vmem>>) dst(%dma_wait3A_479 : memref<1024x32xf32, #tpu.memory_space<hbm>>)
    %dma_start3A_480 = arith.constant 0 : i32
    %dma_start3A_481 = arith.constant 0 : i32
    %dma_start3A_482 = arith.constant 0 : i32
    %dma_start3A_483 = tpu.memref_slice %arg8[%dma_start3A_481, %dma_start3A_482] : memref<1024x32xf32, #tpu.memory_space<vmem>> -> memref<128x32xf32, #tpu.memory_space<vmem>>
    %dma_start3A_484 = arith.constant 0 : i32
    %dma_start3A_485 = tpu.memref_slice %arg6[%dma_start3A_480, %dma_start3A_484] : memref<8x128xi32, #tpu.memory_space<vmem>> -> memref<1x128xi32, #tpu.memory_space<vmem>>
    %dma_start3A_486 = tpu.memref_squeeze %dma_start3A_485 : memref<1x128xi32, #tpu.memory_space<vmem>> -> memref<128xi32, #tpu.memory_space<vmem>>
    %dma_start3A_487 = arith.constant 0 : i32
    %dma_start3A_488 = arith.constant 0 : i32
    %dma_start3A_489 = tpu.memref_slice %arg3[%dma_start3A_487, %dma_start3A_488] : memref<100000x32xf32, #tpu.memory_space<hbm>> -> memref<100000x32xf32, #tpu.memory_space<hbm>>
    tpu.enqueue_indirect_dma source(%dma_start3A_489 : memref<100000x32xf32, #tpu.memory_space<hbm>>) target(%dma_start3A_483 : memref<128x32xf32, #tpu.memory_space<vmem>>) offsets(%dma_start3A_486 : memref<128xi32, #tpu.memory_space<vmem>>) semaphore(%arg12 : memref<!tpu.dma_semaphore, #tpu.memory_space<semaphore_mem>>)
    %dma_start3A_490 = arith.constant 1 : i32
    %dma_start3A_491 = arith.constant 128 : i32
    %dma_start3A_492 = arith.constant 0 : i32
    %dma_start3A_493 = tpu.memref_slice %arg8[%dma_start3A_491, %dma_start3A_492] : memref<1024x32xf32, #tpu.memory_space<vmem>> -> memref<128x32xf32, #tpu.memory_space<vmem>>
    %dma_start3A_494 = arith.constant 0 : i32
    %dma_start3A_495 = tpu.memref_slice %arg6[%dma_start3A_490, %dma_start3A_494] : memref<8x128xi32, #tpu.memory_space<vmem>> -> memref<1x128xi32, #tpu.memory_space<vmem>>
    %dma_start3A_496 = tpu.memref_squeeze %dma_start3A_495 : memref<1x128xi32, #tpu.memory_space<vmem>> -> memref<128xi32, #tpu.memory_space<vmem>>
    %dma_start3A_497 = arith.constant 0 : i32
    %dma_start3A_498 = arith.constant 0 : i32
    %dma_start3A_499 = tpu.memref_slice %arg3[%dma_start3A_497, %dma_start3A_498] : memref<100000x32xf32, #tpu.memory_space<hbm>> -> memref<100000x32xf32, #tpu.memory_space<hbm>>
    tpu.enqueue_indirect_dma source(%dma_start3A_499 : memref<100000x32xf32, #tpu.memory_space<hbm>>) target(%dma_start3A_493 : memref<128x32xf32, #tpu.memory_space<vmem>>) offsets(%dma_start3A_496 : memref<128xi32, #tpu.memory_space<vmem>>) semaphore(%arg12 : memref<!tpu.dma_semaphore, #tpu.memory_space<semaphore_mem>>)
    %dma_start3A_500 = arith.constant 2 : i32
    %dma_start3A_501 = arith.constant 256 : i32
    %dma_start3A_502 = arith.constant 0 : i32
    %dma_start3A_503 = tpu.memref_slice %arg8[%dma_start3A_501, %dma_start3A_502] : memref<1024x32xf32, #tpu.memory_space<vmem>> -> memref<128x32xf32, #tpu.memory_space<vmem>>
    %dma_start3A_504 = arith.constant 0 : i32
    %dma_start3A_505 = tpu.memref_slice %arg6[%dma_start3A_500, %dma_start3A_504] : memref<8x128xi32, #tpu.memory_space<vmem>> -> memref<1x128xi32, #tpu.memory_space<vmem>>
    %dma_start3A_506 = tpu.memref_squeeze %dma_start3A_505 : memref<1x128xi32, #tpu.memory_space<vmem>> -> memref<128xi32, #tpu.memory_space<vmem>>
    %dma_start3A_507 = arith.constant 0 : i32
    %dma_start3A_508 = arith.constant 0 : i32
    %dma_start3A_509 = tpu.memref_slice %arg3[%dma_start3A_507, %dma_start3A_508] : memref<100000x32xf32, #tpu.memory_space<hbm>> -> memref<100000x32xf32, #tpu.memory_space<hbm>>
    tpu.enqueue_indirect_dma source(%dma_start3A_509 : memref<100000x32xf32, #tpu.memory_space<hbm>>) target(%dma_start3A_503 : memref<128x32xf32, #tpu.memory_space<vmem>>) offsets(%dma_start3A_506 : memref<128xi32, #tpu.memory_space<vmem>>) semaphore(%arg12 : memref<!tpu.dma_semaphore, #tpu.memory_space<semaphore_mem>>)
    %dma_start3A_510 = arith.constant 3 : i32
    %dma_start3A_511 = arith.constant 384 : i32
    %dma_start3A_512 = arith.constant 0 : i32
    %dma_start3A_513 = tpu.memref_slice %arg8[%dma_start3A_511, %dma_start3A_512] : memref<1024x32xf32, #tpu.memory_space<vmem>> -> memref<128x32xf32, #tpu.memory_space<vmem>>
    %dma_start3A_514 = arith.constant 0 : i32
    %dma_start3A_515 = tpu.memref_slice %arg6[%dma_start3A_510, %dma_start3A_514] : memref<8x128xi32, #tpu.memory_space<vmem>> -> memref<1x128xi32, #tpu.memory_space<vmem>>
    %dma_start3A_516 = tpu.memref_squeeze %dma_start3A_515 : memref<1x128xi32, #tpu.memory_space<vmem>> -> memref<128xi32, #tpu.memory_space<vmem>>
    %dma_start3A_517 = arith.constant 0 : i32
    %dma_start3A_518 = arith.constant 0 : i32
    %dma_start3A_519 = tpu.memref_slice %arg3[%dma_start3A_517, %dma_start3A_518] : memref<100000x32xf32, #tpu.memory_space<hbm>> -> memref<100000x32xf32, #tpu.memory_space<hbm>>
    tpu.enqueue_indirect_dma source(%dma_start3A_519 : memref<100000x32xf32, #tpu.memory_space<hbm>>) target(%dma_start3A_513 : memref<128x32xf32, #tpu.memory_space<vmem>>) offsets(%dma_start3A_516 : memref<128xi32, #tpu.memory_space<vmem>>) semaphore(%arg12 : memref<!tpu.dma_semaphore, #tpu.memory_space<semaphore_mem>>)
    %dma_start3A_520 = arith.constant 4 : i32
    %dma_start3A_521 = arith.constant 512 : i32
    %dma_start3A_522 = arith.constant 0 : i32
    %dma_start3A_523 = tpu.memref_slice %arg8[%dma_start3A_521, %dma_start3A_522] : memref<1024x32xf32, #tpu.memory_space<vmem>> -> memref<128x32xf32, #tpu.memory_space<vmem>>
    %dma_start3A_524 = arith.constant 0 : i32
    %dma_start3A_525 = tpu.memref_slice %arg6[%dma_start3A_520, %dma_start3A_524] : memref<8x128xi32, #tpu.memory_space<vmem>> -> memref<1x128xi32, #tpu.memory_space<vmem>>
    %dma_start3A_526 = tpu.memref_squeeze %dma_start3A_525 : memref<1x128xi32, #tpu.memory_space<vmem>> -> memref<128xi32, #tpu.memory_space<vmem>>
    %dma_start3A_527 = arith.constant 0 : i32
    %dma_start3A_528 = arith.constant 0 : i32
    %dma_start3A_529 = tpu.memref_slice %arg3[%dma_start3A_527, %dma_start3A_528] : memref<100000x32xf32, #tpu.memory_space<hbm>> -> memref<100000x32xf32, #tpu.memory_space<hbm>>
    tpu.enqueue_indirect_dma source(%dma_start3A_529 : memref<100000x32xf32, #tpu.memory_space<hbm>>) target(%dma_start3A_523 : memref<128x32xf32, #tpu.memory_space<vmem>>) offsets(%dma_start3A_526 : memref<128xi32, #tpu.memory_space<vmem>>) semaphore(%arg12 : memref<!tpu.dma_semaphore, #tpu.memory_space<semaphore_mem>>)
    %dma_start3A_530 = arith.constant 5 : i32
    %dma_start3A_531 = arith.constant 640 : i32
    %dma_start3A_532 = arith.constant 0 : i32
    %dma_start3A_533 = tpu.memref_slice %arg8[%dma_start3A_531, %dma_start3A_532] : memref<1024x32xf32, #tpu.memory_space<vmem>> -> memref<128x32xf32, #tpu.memory_space<vmem>>
    %dma_start3A_534 = arith.constant 0 : i32
    %dma_start3A_535 = tpu.memref_slice %arg6[%dma_start3A_530, %dma_start3A_534] : memref<8x128xi32, #tpu.memory_space<vmem>> -> memref<1x128xi32, #tpu.memory_space<vmem>>
    %dma_start3A_536 = tpu.memref_squeeze %dma_start3A_535 : memref<1x128xi32, #tpu.memory_space<vmem>> -> memref<128xi32, #tpu.memory_space<vmem>>
    %dma_start3A_537 = arith.constant 0 : i32
    %dma_start3A_538 = arith.constant 0 : i32
    %dma_start3A_539 = tpu.memref_slice %arg3[%dma_start3A_537, %dma_start3A_538] : memref<100000x32xf32, #tpu.memory_space<hbm>> -> memref<100000x32xf32, #tpu.memory_space<hbm>>
    tpu.enqueue_indirect_dma source(%dma_start3A_539 : memref<100000x32xf32, #tpu.memory_space<hbm>>) target(%dma_start3A_533 : memref<128x32xf32, #tpu.memory_space<vmem>>) offsets(%dma_start3A_536 : memref<128xi32, #tpu.memory_space<vmem>>) semaphore(%arg12 : memref<!tpu.dma_semaphore, #tpu.memory_space<semaphore_mem>>)
    %dma_start3A_540 = arith.constant 6 : i32
    %dma_start3A_541 = arith.constant 768 : i32
    %dma_start3A_542 = arith.constant 0 : i32
    %dma_start3A_543 = tpu.memref_slice %arg8[%dma_start3A_541, %dma_start3A_542] : memref<1024x32xf32, #tpu.memory_space<vmem>> -> memref<128x32xf32, #tpu.memory_space<vmem>>
    %dma_start3A_544 = arith.constant 0 : i32
    %dma_start3A_545 = tpu.memref_slice %arg6[%dma_start3A_540, %dma_start3A_544] : memref<8x128xi32, #tpu.memory_space<vmem>> -> memref<1x128xi32, #tpu.memory_space<vmem>>
    %dma_start3A_546 = tpu.memref_squeeze %dma_start3A_545 : memref<1x128xi32, #tpu.memory_space<vmem>> -> memref<128xi32, #tpu.memory_space<vmem>>
    %dma_start3A_547 = arith.constant 0 : i32
    %dma_start3A_548 = arith.constant 0 : i32
    %dma_start3A_549 = tpu.memref_slice %arg3[%dma_start3A_547, %dma_start3A_548] : memref<100000x32xf32, #tpu.memory_space<hbm>> -> memref<100000x32xf32, #tpu.memory_space<hbm>>
    tpu.enqueue_indirect_dma source(%dma_start3A_549 : memref<100000x32xf32, #tpu.memory_space<hbm>>) target(%dma_start3A_543 : memref<128x32xf32, #tpu.memory_space<vmem>>) offsets(%dma_start3A_546 : memref<128xi32, #tpu.memory_space<vmem>>) semaphore(%arg12 : memref<!tpu.dma_semaphore, #tpu.memory_space<semaphore_mem>>)
    %dma_start3A_550 = arith.constant 7 : i32
    %dma_start3A_551 = arith.constant 896 : i32
    %dma_start3A_552 = arith.constant 0 : i32
    %dma_start3A_553 = tpu.memref_slice %arg8[%dma_start3A_551, %dma_start3A_552] : memref<1024x32xf32, #tpu.memory_space<vmem>> -> memref<128x32xf32, #tpu.memory_space<vmem>>
    %dma_start3A_554 = arith.constant 0 : i32
    %dma_start3A_555 = tpu.memref_slice %arg6[%dma_start3A_550, %dma_start3A_554] : memref<8x128xi32, #tpu.memory_space<vmem>> -> memref<1x128xi32, #tpu.memory_space<vmem>>
    %dma_start3A_556 = tpu.memref_squeeze %dma_start3A_555 : memref<1x128xi32, #tpu.memory_space<vmem>> -> memref<128xi32, #tpu.memory_space<vmem>>
    %dma_start3A_557 = arith.constant 0 : i32
    %dma_start3A_558 = arith.constant 0 : i32
    %dma_start3A_559 = tpu.memref_slice %arg3[%dma_start3A_557, %dma_start3A_558] : memref<100000x32xf32, #tpu.memory_space<hbm>> -> memref<100000x32xf32, #tpu.memory_space<hbm>>
    tpu.enqueue_indirect_dma source(%dma_start3A_559 : memref<100000x32xf32, #tpu.memory_space<hbm>>) target(%dma_start3A_553 : memref<128x32xf32, #tpu.memory_space<vmem>>) offsets(%dma_start3A_556 : memref<128xi32, #tpu.memory_space<vmem>>) semaphore(%arg12 : memref<!tpu.dma_semaphore, #tpu.memory_space<semaphore_mem>>)
    %dma_wait3A_560 = arith.constant 0 : i32
    %dma_wait3A_561 = arith.constant 0 : i32
    %dma_wait3A_562 = arith.constant 0 : i32
    %dma_wait3A_563 = tpu.memref_slice %arg7[%dma_wait3A_561, %dma_wait3A_562] : memref<1024x32xf32, #tpu.memory_space<vmem>> -> memref<128x32xf32, #tpu.memory_space<vmem>>
    %dma_wait3A_564 = arith.constant 0 : i32
    %dma_wait3A_565 = tpu.memref_slice %arg5[%dma_wait3A_560, %dma_wait3A_564] : memref<8x128xi32, #tpu.memory_space<vmem>> -> memref<1x128xi32, #tpu.memory_space<vmem>>
    %dma_wait3A_566 = tpu.memref_squeeze %dma_wait3A_565 : memref<1x128xi32, #tpu.memory_space<vmem>> -> memref<128xi32, #tpu.memory_space<vmem>>
    %dma_wait3A_567 = arith.constant 0 : i32
    %dma_wait3A_568 = arith.constant 0 : i32
    %dma_wait3A_569 = tpu.memref_slice %arg3[%dma_wait3A_567, %dma_wait3A_568] : memref<100000x32xf32, #tpu.memory_space<hbm>> -> memref<100000x32xf32, #tpu.memory_space<hbm>>
    tpu.wait_indirect_dma semaphore(%arg11 : memref<!tpu.dma_semaphore, #tpu.memory_space<semaphore_mem>>) src(%dma_wait3A_569 : memref<100000x32xf32, #tpu.memory_space<hbm>>) dst(%dma_wait3A_563 : memref<128x32xf32, #tpu.memory_space<vmem>>)
    %dma_wait3A_570 = arith.constant 1 : i32
    %dma_wait3A_571 = arith.constant 128 : i32
    %dma_wait3A_572 = arith.constant 0 : i32
    %dma_wait3A_573 = tpu.memref_slice %arg7[%dma_wait3A_571, %dma_wait3A_572] : memref<1024x32xf32, #tpu.memory_space<vmem>> -> memref<128x32xf32, #tpu.memory_space<vmem>>
    %dma_wait3A_574 = arith.constant 0 : i32
    %dma_wait3A_575 = tpu.memref_slice %arg5[%dma_wait3A_570, %dma_wait3A_574] : memref<8x128xi32, #tpu.memory_space<vmem>> -> memref<1x128xi32, #tpu.memory_space<vmem>>
    %dma_wait3A_576 = tpu.memref_squeeze %dma_wait3A_575 : memref<1x128xi32, #tpu.memory_space<vmem>> -> memref<128xi32, #tpu.memory_space<vmem>>
    %dma_wait3A_577 = arith.constant 0 : i32
    %dma_wait3A_578 = arith.constant 0 : i32
    %dma_wait3A_579 = tpu.memref_slice %arg3[%dma_wait3A_577, %dma_wait3A_578] : memref<100000x32xf32, #tpu.memory_space<hbm>> -> memref<100000x32xf32, #tpu.memory_space<hbm>>
    tpu.wait_indirect_dma semaphore(%arg11 : memref<!tpu.dma_semaphore, #tpu.memory_space<semaphore_mem>>) src(%dma_wait3A_579 : memref<100000x32xf32, #tpu.memory_space<hbm>>) dst(%dma_wait3A_573 : memref<128x32xf32, #tpu.memory_space<vmem>>)
    %dma_wait3A_580 = arith.constant 2 : i32
    %dma_wait3A_581 = arith.constant 256 : i32
    %dma_wait3A_582 = arith.constant 0 : i32
    %dma_wait3A_583 = tpu.memref_slice %arg7[%dma_wait3A_581, %dma_wait3A_582] : memref<1024x32xf32, #tpu.memory_space<vmem>> -> memref<128x32xf32, #tpu.memory_space<vmem>>
    %dma_wait3A_584 = arith.constant 0 : i32
    %dma_wait3A_585 = tpu.memref_slice %arg5[%dma_wait3A_580, %dma_wait3A_584] : memref<8x128xi32, #tpu.memory_space<vmem>> -> memref<1x128xi32, #tpu.memory_space<vmem>>
    %dma_wait3A_586 = tpu.memref_squeeze %dma_wait3A_585 : memref<1x128xi32, #tpu.memory_space<vmem>> -> memref<128xi32, #tpu.memory_space<vmem>>
    %dma_wait3A_587 = arith.constant 0 : i32
    %dma_wait3A_588 = arith.constant 0 : i32
    %dma_wait3A_589 = tpu.memref_slice %arg3[%dma_wait3A_587, %dma_wait3A_588] : memref<100000x32xf32, #tpu.memory_space<hbm>> -> memref<100000x32xf32, #tpu.memory_space<hbm>>
    tpu.wait_indirect_dma semaphore(%arg11 : memref<!tpu.dma_semaphore, #tpu.memory_space<semaphore_mem>>) src(%dma_wait3A_589 : memref<100000x32xf32, #tpu.memory_space<hbm>>) dst(%dma_wait3A_583 : memref<128x32xf32, #tpu.memory_space<vmem>>)
    %dma_wait3A_590 = arith.constant 3 : i32
    %dma_wait3A_591 = arith.constant 384 : i32
    %dma_wait3A_592 = arith.constant 0 : i32
    %dma_wait3A_593 = tpu.memref_slice %arg7[%dma_wait3A_591, %dma_wait3A_592] : memref<1024x32xf32, #tpu.memory_space<vmem>> -> memref<128x32xf32, #tpu.memory_space<vmem>>
    %dma_wait3A_594 = arith.constant 0 : i32
    %dma_wait3A_595 = tpu.memref_slice %arg5[%dma_wait3A_590, %dma_wait3A_594] : memref<8x128xi32, #tpu.memory_space<vmem>> -> memref<1x128xi32, #tpu.memory_space<vmem>>
    %dma_wait3A_596 = tpu.memref_squeeze %dma_wait3A_595 : memref<1x128xi32, #tpu.memory_space<vmem>> -> memref<128xi32, #tpu.memory_space<vmem>>
    %dma_wait3A_597 = arith.constant 0 : i32
    %dma_wait3A_598 = arith.constant 0 : i32
    %dma_wait3A_599 = tpu.memref_slice %arg3[%dma_wait3A_597, %dma_wait3A_598] : memref<100000x32xf32, #tpu.memory_space<hbm>> -> memref<100000x32xf32, #tpu.memory_space<hbm>>
    tpu.wait_indirect_dma semaphore(%arg11 : memref<!tpu.dma_semaphore, #tpu.memory_space<semaphore_mem>>) src(%dma_wait3A_599 : memref<100000x32xf32, #tpu.memory_space<hbm>>) dst(%dma_wait3A_593 : memref<128x32xf32, #tpu.memory_space<vmem>>)
    %dma_wait3A_600 = arith.constant 4 : i32
    %dma_wait3A_601 = arith.constant 512 : i32
    %dma_wait3A_602 = arith.constant 0 : i32
    %dma_wait3A_603 = tpu.memref_slice %arg7[%dma_wait3A_601, %dma_wait3A_602] : memref<1024x32xf32, #tpu.memory_space<vmem>> -> memref<128x32xf32, #tpu.memory_space<vmem>>
    %dma_wait3A_604 = arith.constant 0 : i32
    %dma_wait3A_605 = tpu.memref_slice %arg5[%dma_wait3A_600, %dma_wait3A_604] : memref<8x128xi32, #tpu.memory_space<vmem>> -> memref<1x128xi32, #tpu.memory_space<vmem>>
    %dma_wait3A_606 = tpu.memref_squeeze %dma_wait3A_605 : memref<1x128xi32, #tpu.memory_space<vmem>> -> memref<128xi32, #tpu.memory_space<vmem>>
    %dma_wait3A_607 = arith.constant 0 : i32
    %dma_wait3A_608 = arith.constant 0 : i32
    %dma_wait3A_609 = tpu.memref_slice %arg3[%dma_wait3A_607, %dma_wait3A_608] : memref<100000x32xf32, #tpu.memory_space<hbm>> -> memref<100000x32xf32, #tpu.memory_space<hbm>>
    tpu.wait_indirect_dma semaphore(%arg11 : memref<!tpu.dma_semaphore, #tpu.memory_space<semaphore_mem>>) src(%dma_wait3A_609 : memref<100000x32xf32, #tpu.memory_space<hbm>>) dst(%dma_wait3A_603 : memref<128x32xf32, #tpu.memory_space<vmem>>)
    %dma_wait3A_610 = arith.constant 5 : i32
    %dma_wait3A_611 = arith.constant 640 : i32
    %dma_wait3A_612 = arith.constant 0 : i32
    %dma_wait3A_613 = tpu.memref_slice %arg7[%dma_wait3A_611, %dma_wait3A_612] : memref<1024x32xf32, #tpu.memory_space<vmem>> -> memref<128x32xf32, #tpu.memory_space<vmem>>
    %dma_wait3A_614 = arith.constant 0 : i32
    %dma_wait3A_615 = tpu.memref_slice %arg5[%dma_wait3A_610, %dma_wait3A_614] : memref<8x128xi32, #tpu.memory_space<vmem>> -> memref<1x128xi32, #tpu.memory_space<vmem>>
    %dma_wait3A_616 = tpu.memref_squeeze %dma_wait3A_615 : memref<1x128xi32, #tpu.memory_space<vmem>> -> memref<128xi32, #tpu.memory_space<vmem>>
    %dma_wait3A_617 = arith.constant 0 : i32
    %dma_wait3A_618 = arith.constant 0 : i32
    %dma_wait3A_619 = tpu.memref_slice %arg3[%dma_wait3A_617, %dma_wait3A_618] : memref<100000x32xf32, #tpu.memory_space<hbm>> -> memref<100000x32xf32, #tpu.memory_space<hbm>>
    tpu.wait_indirect_dma semaphore(%arg11 : memref<!tpu.dma_semaphore, #tpu.memory_space<semaphore_mem>>) src(%dma_wait3A_619 : memref<100000x32xf32, #tpu.memory_space<hbm>>) dst(%dma_wait3A_613 : memref<128x32xf32, #tpu.memory_space<vmem>>)
    %dma_wait3A_620 = arith.constant 6 : i32
    %dma_wait3A_621 = arith.constant 768 : i32
    %dma_wait3A_622 = arith.constant 0 : i32
    %dma_wait3A_623 = tpu.memref_slice %arg7[%dma_wait3A_621, %dma_wait3A_622] : memref<1024x32xf32, #tpu.memory_space<vmem>> -> memref<128x32xf32, #tpu.memory_space<vmem>>
    %dma_wait3A_624 = arith.constant 0 : i32
    %dma_wait3A_625 = tpu.memref_slice %arg5[%dma_wait3A_620, %dma_wait3A_624] : memref<8x128xi32, #tpu.memory_space<vmem>> -> memref<1x128xi32, #tpu.memory_space<vmem>>
    %dma_wait3A_626 = tpu.memref_squeeze %dma_wait3A_625 : memref<1x128xi32, #tpu.memory_space<vmem>> -> memref<128xi32, #tpu.memory_space<vmem>>
    %dma_wait3A_627 = arith.constant 0 : i32
    %dma_wait3A_628 = arith.constant 0 : i32
    %dma_wait3A_629 = tpu.memref_slice %arg3[%dma_wait3A_627, %dma_wait3A_628] : memref<100000x32xf32, #tpu.memory_space<hbm>> -> memref<100000x32xf32, #tpu.memory_space<hbm>>
    tpu.wait_indirect_dma semaphore(%arg11 : memref<!tpu.dma_semaphore, #tpu.memory_space<semaphore_mem>>) src(%dma_wait3A_629 : memref<100000x32xf32, #tpu.memory_space<hbm>>) dst(%dma_wait3A_623 : memref<128x32xf32, #tpu.memory_space<vmem>>)
    %dma_wait3A_630 = arith.constant 7 : i32
    %dma_wait3A_631 = arith.constant 896 : i32
    %dma_wait3A_632 = arith.constant 0 : i32
    %dma_wait3A_633 = tpu.memref_slice %arg7[%dma_wait3A_631, %dma_wait3A_632] : memref<1024x32xf32, #tpu.memory_space<vmem>> -> memref<128x32xf32, #tpu.memory_space<vmem>>
    %dma_wait3A_634 = arith.constant 0 : i32
    %dma_wait3A_635 = tpu.memref_slice %arg5[%dma_wait3A_630, %dma_wait3A_634] : memref<8x128xi32, #tpu.memory_space<vmem>> -> memref<1x128xi32, #tpu.memory_space<vmem>>
    %dma_wait3A_636 = tpu.memref_squeeze %dma_wait3A_635 : memref<1x128xi32, #tpu.memory_space<vmem>> -> memref<128xi32, #tpu.memory_space<vmem>>
    %dma_wait3A_637 = arith.constant 0 : i32
    %dma_wait3A_638 = arith.constant 0 : i32
    %dma_wait3A_639 = tpu.memref_slice %arg3[%dma_wait3A_637, %dma_wait3A_638] : memref<100000x32xf32, #tpu.memory_space<hbm>> -> memref<100000x32xf32, #tpu.memory_space<hbm>>
    tpu.wait_indirect_dma semaphore(%arg11 : memref<!tpu.dma_semaphore, #tpu.memory_space<semaphore_mem>>) src(%dma_wait3A_639 : memref<100000x32xf32, #tpu.memory_space<hbm>>) dst(%dma_wait3A_633 : memref<128x32xf32, #tpu.memory_space<vmem>>)
    %add3A_640 = arith.constant 100352 : i32
    %add3A_641 = arith.addi %mul3A_2, %add3A_640 : i32
    %dma_start3A_642 = arith.constant 0 : i32
    %dma_start3A_643 = tpu.memref_slice %arg4[%add3A_641, %dma_start3A_642] : memref<3276800x32xf32, #tpu.memory_space<hbm>> -> memref<1024x32xf32, #tpu.memory_space<hbm>>
    %dma_start3A_644 = arith.constant 0 : i32
    %dma_start3A_645 = tpu.memref_slice %arg4[%add3A_641, %dma_start3A_644] : memref<3276800x32xf32, #tpu.memory_space<hbm>> -> memref<1024x32xf32, #tpu.memory_space<hbm>>
    tpu.enqueue_dma source(%arg7 : memref<1024x32xf32, #tpu.memory_space<vmem>>) target(%dma_start3A_645 : memref<1024x32xf32, #tpu.memory_space<hbm>>) target_semaphore(%arg13 : memref<!tpu.dma_semaphore, #tpu.memory_space<semaphore_mem>>)
    %dma_wait3A_646 = arith.constant 0 : i32
    %dma_wait3A_647 = arith.constant 0 : i32
    %dma_wait3A_648 = arith.constant 0 : i32
    %dma_wait3A_649 = tpu.memref_slice %arg8[%dma_wait3A_647, %dma_wait3A_648] : memref<1024x32xf32, #tpu.memory_space<vmem>> -> memref<128x32xf32, #tpu.memory_space<vmem>>
    %dma_wait3A_650 = arith.constant 0 : i32
    %dma_wait3A_651 = tpu.memref_slice %arg6[%dma_wait3A_646, %dma_wait3A_650] : memref<8x128xi32, #tpu.memory_space<vmem>> -> memref<1x128xi32, #tpu.memory_space<vmem>>
    %dma_wait3A_652 = tpu.memref_squeeze %dma_wait3A_651 : memref<1x128xi32, #tpu.memory_space<vmem>> -> memref<128xi32, #tpu.memory_space<vmem>>
    %dma_wait3A_653 = arith.constant 0 : i32
    %dma_wait3A_654 = arith.constant 0 : i32
    %dma_wait3A_655 = tpu.memref_slice %arg3[%dma_wait3A_653, %dma_wait3A_654] : memref<100000x32xf32, #tpu.memory_space<hbm>> -> memref<100000x32xf32, #tpu.memory_space<hbm>>
    tpu.wait_indirect_dma semaphore(%arg12 : memref<!tpu.dma_semaphore, #tpu.memory_space<semaphore_mem>>) src(%dma_wait3A_655 : memref<100000x32xf32, #tpu.memory_space<hbm>>) dst(%dma_wait3A_649 : memref<128x32xf32, #tpu.memory_space<vmem>>)
    %dma_wait3A_656 = arith.constant 1 : i32
    %dma_wait3A_657 = arith.constant 128 : i32
    %dma_wait3A_658 = arith.constant 0 : i32
    %dma_wait3A_659 = tpu.memref_slice %arg8[%dma_wait3A_657, %dma_wait3A_658] : memref<1024x32xf32, #tpu.memory_space<vmem>> -> memref<128x32xf32, #tpu.memory_space<vmem>>
    %dma_wait3A_660 = arith.constant 0 : i32
    %dma_wait3A_661 = tpu.memref_slice %arg6[%dma_wait3A_656, %dma_wait3A_660] : memref<8x128xi32, #tpu.memory_space<vmem>> -> memref<1x128xi32, #tpu.memory_space<vmem>>
    %dma_wait3A_662 = tpu.memref_squeeze %dma_wait3A_661 : memref<1x128xi32, #tpu.memory_space<vmem>> -> memref<128xi32, #tpu.memory_space<vmem>>
    %dma_wait3A_663 = arith.constant 0 : i32
    %dma_wait3A_664 = arith.constant 0 : i32
    %dma_wait3A_665 = tpu.memref_slice %arg3[%dma_wait3A_663, %dma_wait3A_664] : memref<100000x32xf32, #tpu.memory_space<hbm>> -> memref<100000x32xf32, #tpu.memory_space<hbm>>
    tpu.wait_indirect_dma semaphore(%arg12 : memref<!tpu.dma_semaphore, #tpu.memory_space<semaphore_mem>>) src(%dma_wait3A_665 : memref<100000x32xf32, #tpu.memory_space<hbm>>) dst(%dma_wait3A_659 : memref<128x32xf32, #tpu.memory_space<vmem>>)
    %dma_wait3A_666 = arith.constant 2 : i32
    %dma_wait3A_667 = arith.constant 256 : i32
    %dma_wait3A_668 = arith.constant 0 : i32
    %dma_wait3A_669 = tpu.memref_slice %arg8[%dma_wait3A_667, %dma_wait3A_668] : memref<1024x32xf32, #tpu.memory_space<vmem>> -> memref<128x32xf32, #tpu.memory_space<vmem>>
    %dma_wait3A_670 = arith.constant 0 : i32
    %dma_wait3A_671 = tpu.memref_slice %arg6[%dma_wait3A_666, %dma_wait3A_670] : memref<8x128xi32, #tpu.memory_space<vmem>> -> memref<1x128xi32, #tpu.memory_space<vmem>>
    %dma_wait3A_672 = tpu.memref_squeeze %dma_wait3A_671 : memref<1x128xi32, #tpu.memory_space<vmem>> -> memref<128xi32, #tpu.memory_space<vmem>>
    %dma_wait3A_673 = arith.constant 0 : i32
    %dma_wait3A_674 = arith.constant 0 : i32
    %dma_wait3A_675 = tpu.memref_slice %arg3[%dma_wait3A_673, %dma_wait3A_674] : memref<100000x32xf32, #tpu.memory_space<hbm>> -> memref<100000x32xf32, #tpu.memory_space<hbm>>
    tpu.wait_indirect_dma semaphore(%arg12 : memref<!tpu.dma_semaphore, #tpu.memory_space<semaphore_mem>>) src(%dma_wait3A_675 : memref<100000x32xf32, #tpu.memory_space<hbm>>) dst(%dma_wait3A_669 : memref<128x32xf32, #tpu.memory_space<vmem>>)
    %dma_wait3A_676 = arith.constant 3 : i32
    %dma_wait3A_677 = arith.constant 384 : i32
    %dma_wait3A_678 = arith.constant 0 : i32
    %dma_wait3A_679 = tpu.memref_slice %arg8[%dma_wait3A_677, %dma_wait3A_678] : memref<1024x32xf32, #tpu.memory_space<vmem>> -> memref<128x32xf32, #tpu.memory_space<vmem>>
    %dma_wait3A_680 = arith.constant 0 : i32
    %dma_wait3A_681 = tpu.memref_slice %arg6[%dma_wait3A_676, %dma_wait3A_680] : memref<8x128xi32, #tpu.memory_space<vmem>> -> memref<1x128xi32, #tpu.memory_space<vmem>>
    %dma_wait3A_682 = tpu.memref_squeeze %dma_wait3A_681 : memref<1x128xi32, #tpu.memory_space<vmem>> -> memref<128xi32, #tpu.memory_space<vmem>>
    %dma_wait3A_683 = arith.constant 0 : i32
    %dma_wait3A_684 = arith.constant 0 : i32
    %dma_wait3A_685 = tpu.memref_slice %arg3[%dma_wait3A_683, %dma_wait3A_684] : memref<100000x32xf32, #tpu.memory_space<hbm>> -> memref<100000x32xf32, #tpu.memory_space<hbm>>
    tpu.wait_indirect_dma semaphore(%arg12 : memref<!tpu.dma_semaphore, #tpu.memory_space<semaphore_mem>>) src(%dma_wait3A_685 : memref<100000x32xf32, #tpu.memory_space<hbm>>) dst(%dma_wait3A_679 : memref<128x32xf32, #tpu.memory_space<vmem>>)
    %dma_wait3A_686 = arith.constant 4 : i32
    %dma_wait3A_687 = arith.constant 512 : i32
    %dma_wait3A_688 = arith.constant 0 : i32
    %dma_wait3A_689 = tpu.memref_slice %arg8[%dma_wait3A_687, %dma_wait3A_688] : memref<1024x32xf32, #tpu.memory_space<vmem>> -> memref<128x32xf32, #tpu.memory_space<vmem>>
    %dma_wait3A_690 = arith.constant 0 : i32
    %dma_wait3A_691 = tpu.memref_slice %arg6[%dma_wait3A_686, %dma_wait3A_690] : memref<8x128xi32, #tpu.memory_space<vmem>> -> memref<1x128xi32, #tpu.memory_space<vmem>>
    %dma_wait3A_692 = tpu.memref_squeeze %dma_wait3A_691 : memref<1x128xi32, #tpu.memory_space<vmem>> -> memref<128xi32, #tpu.memory_space<vmem>>
    %dma_wait3A_693 = arith.constant 0 : i32
    %dma_wait3A_694 = arith.constant 0 : i32
    %dma_wait3A_695 = tpu.memref_slice %arg3[%dma_wait3A_693, %dma_wait3A_694] : memref<100000x32xf32, #tpu.memory_space<hbm>> -> memref<100000x32xf32, #tpu.memory_space<hbm>>
    tpu.wait_indirect_dma semaphore(%arg12 : memref<!tpu.dma_semaphore, #tpu.memory_space<semaphore_mem>>) src(%dma_wait3A_695 : memref<100000x32xf32, #tpu.memory_space<hbm>>) dst(%dma_wait3A_689 : memref<128x32xf32, #tpu.memory_space<vmem>>)
    %dma_wait3A_696 = arith.constant 5 : i32
    %dma_wait3A_697 = arith.constant 640 : i32
    %dma_wait3A_698 = arith.constant 0 : i32
    %dma_wait3A_699 = tpu.memref_slice %arg8[%dma_wait3A_697, %dma_wait3A_698] : memref<1024x32xf32, #tpu.memory_space<vmem>> -> memref<128x32xf32, #tpu.memory_space<vmem>>
    %dma_wait3A_700 = arith.constant 0 : i32
    %dma_wait3A_701 = tpu.memref_slice %arg6[%dma_wait3A_696, %dma_wait3A_700] : memref<8x128xi32, #tpu.memory_space<vmem>> -> memref<1x128xi32, #tpu.memory_space<vmem>>
    %dma_wait3A_702 = tpu.memref_squeeze %dma_wait3A_701 : memref<1x128xi32, #tpu.memory_space<vmem>> -> memref<128xi32, #tpu.memory_space<vmem>>
    %dma_wait3A_703 = arith.constant 0 : i32
    %dma_wait3A_704 = arith.constant 0 : i32
    %dma_wait3A_705 = tpu.memref_slice %arg3[%dma_wait3A_703, %dma_wait3A_704] : memref<100000x32xf32, #tpu.memory_space<hbm>> -> memref<100000x32xf32, #tpu.memory_space<hbm>>
    tpu.wait_indirect_dma semaphore(%arg12 : memref<!tpu.dma_semaphore, #tpu.memory_space<semaphore_mem>>) src(%dma_wait3A_705 : memref<100000x32xf32, #tpu.memory_space<hbm>>) dst(%dma_wait3A_699 : memref<128x32xf32, #tpu.memory_space<vmem>>)
    %dma_wait3A_706 = arith.constant 6 : i32
    %dma_wait3A_707 = arith.constant 768 : i32
    %dma_wait3A_708 = arith.constant 0 : i32
    %dma_wait3A_709 = tpu.memref_slice %arg8[%dma_wait3A_707, %dma_wait3A_708] : memref<1024x32xf32, #tpu.memory_space<vmem>> -> memref<128x32xf32, #tpu.memory_space<vmem>>
    %dma_wait3A_710 = arith.constant 0 : i32
    %dma_wait3A_711 = tpu.memref_slice %arg6[%dma_wait3A_706, %dma_wait3A_710] : memref<8x128xi32, #tpu.memory_space<vmem>> -> memref<1x128xi32, #tpu.memory_space<vmem>>
    %dma_wait3A_712 = tpu.memref_squeeze %dma_wait3A_711 : memref<1x128xi32, #tpu.memory_space<vmem>> -> memref<128xi32, #tpu.memory_space<vmem>>
    %dma_wait3A_713 = arith.constant 0 : i32
    %dma_wait3A_714 = arith.constant 0 : i32
    %dma_wait3A_715 = tpu.memref_slice %arg3[%dma_wait3A_713, %dma_wait3A_714] : memref<100000x32xf32, #tpu.memory_space<hbm>> -> memref<100000x32xf32, #tpu.memory_space<hbm>>
    tpu.wait_indirect_dma semaphore(%arg12 : memref<!tpu.dma_semaphore, #tpu.memory_space<semaphore_mem>>) src(%dma_wait3A_715 : memref<100000x32xf32, #tpu.memory_space<hbm>>) dst(%dma_wait3A_709 : memref<128x32xf32, #tpu.memory_space<vmem>>)
    %dma_wait3A_716 = arith.constant 7 : i32
    %dma_wait3A_717 = arith.constant 896 : i32
    %dma_wait3A_718 = arith.constant 0 : i32
    %dma_wait3A_719 = tpu.memref_slice %arg8[%dma_wait3A_717, %dma_wait3A_718] : memref<1024x32xf32, #tpu.memory_space<vmem>> -> memref<128x32xf32, #tpu.memory_space<vmem>>
    %dma_wait3A_720 = arith.constant 0 : i32
    %dma_wait3A_721 = tpu.memref_slice %arg6[%dma_wait3A_716, %dma_wait3A_720] : memref<8x128xi32, #tpu.memory_space<vmem>> -> memref<1x128xi32, #tpu.memory_space<vmem>>
    %dma_wait3A_722 = tpu.memref_squeeze %dma_wait3A_721 : memref<1x128xi32, #tpu.memory_space<vmem>> -> memref<128xi32, #tpu.memory_space<vmem>>
    %dma_wait3A_723 = arith.constant 0 : i32
    %dma_wait3A_724 = arith.constant 0 : i32
    %dma_wait3A_725 = tpu.memref_slice %arg3[%dma_wait3A_723, %dma_wait3A_724] : memref<100000x32xf32, #tpu.memory_space<hbm>> -> memref<100000x32xf32, #tpu.memory_space<hbm>>
    tpu.wait_indirect_dma semaphore(%arg12 : memref<!tpu.dma_semaphore, #tpu.memory_space<semaphore_mem>>) src(%dma_wait3A_725 : memref<100000x32xf32, #tpu.memory_space<hbm>>) dst(%dma_wait3A_719 : memref<128x32xf32, #tpu.memory_space<vmem>>)
    %add3A_726 = arith.constant 101376 : i32
    %add3A_727 = arith.addi %mul3A_2, %add3A_726 : i32
    %dma_start3A_728 = arith.constant 0 : i32
    %dma_start3A_729 = tpu.memref_slice %arg4[%add3A_727, %dma_start3A_728] : memref<3276800x32xf32, #tpu.memory_space<hbm>> -> memref<1024x32xf32, #tpu.memory_space<hbm>>
    %dma_start3A_730 = arith.constant 0 : i32
    %dma_start3A_731 = tpu.memref_slice %arg4[%add3A_727, %dma_start3A_730] : memref<3276800x32xf32, #tpu.memory_space<hbm>> -> memref<1024x32xf32, #tpu.memory_space<hbm>>
    tpu.enqueue_dma source(%arg8 : memref<1024x32xf32, #tpu.memory_space<vmem>>) target(%dma_start3A_731 : memref<1024x32xf32, #tpu.memory_space<hbm>>) target_semaphore(%arg14 : memref<!tpu.dma_semaphore, #tpu.memory_space<semaphore_mem>>)
    %add3A_732 = arith.constant 100352 : i32
    %add3A_733 = arith.addi %mul3A_2, %add3A_732 : i32
    %dma_wait3A_734 = arith.constant 0 : i32
    %dma_wait3A_735 = tpu.memref_slice %arg4[%add3A_733, %dma_wait3A_734] : memref<3276800x32xf32, #tpu.memory_space<hbm>> -> memref<1024x32xf32, #tpu.memory_space<hbm>>
    %dma_wait3A_736 = arith.constant 0 : i32
    %dma_wait3A_737 = tpu.memref_slice %arg4[%add3A_733, %dma_wait3A_736] : memref<3276800x32xf32, #tpu.memory_space<hbm>> -> memref<1024x32xf32, #tpu.memory_space<hbm>>
    tpu.wait_dma2 semaphore(%arg13 : memref<!tpu.dma_semaphore, #tpu.memory_space<semaphore_mem>>) src(%arg7 : memref<1024x32xf32, #tpu.memory_space<vmem>>) dst(%dma_wait3A_737 : memref<1024x32xf32, #tpu.memory_space<hbm>>)
    %add3A_738 = arith.constant 101376 : i32
    %add3A_739 = arith.addi %mul3A_2, %add3A_738 : i32
    %dma_wait3A_740 = arith.constant 0 : i32
    %dma_wait3A_741 = tpu.memref_slice %arg4[%add3A_739, %dma_wait3A_740] : memref<3276800x32xf32, #tpu.memory_space<hbm>> -> memref<1024x32xf32, #tpu.memory_space<hbm>>
    %dma_wait3A_742 = arith.constant 0 : i32
    %dma_wait3A_743 = tpu.memref_slice %arg4[%add3A_739, %dma_wait3A_742] : memref<3276800x32xf32, #tpu.memory_space<hbm>> -> memref<1024x32xf32, #tpu.memory_space<hbm>>
    tpu.wait_dma2 semaphore(%arg14 : memref<!tpu.dma_semaphore, #tpu.memory_space<semaphore_mem>>) src(%arg8 : memref<1024x32xf32, #tpu.memory_space<vmem>>) dst(%dma_wait3A_743 : memref<1024x32xf32, #tpu.memory_space<hbm>>)
    return
  }
}

</mosaic_0001>

<sc_bundles>
// kernel: kernel.3.cloned.1.call-start
scs
__scs_entry_jumppad:
0x0: {  	(pc) =	sbr.rel $0x88, $3  }
0x1: {  	(tag) =	ssettag $0x0;
	lr =	simm.s32 $0x1  }
0x2: {  	[smem:$0x3F9F] =	sst lr;
	_ =	strace $0xD0000000  }
0x3: {  	_ = 	snop  }
0x4: {  	_ = 	snop  }
0x5: {  	_ = 	snop  }
0x6: {  	_ = 	snop  }
0x7: {  	_ = 	snop  }
__scs_overlays_trampoline_lowered:
0x8: {  	[smem:$0x3FAE] =	sst s0  }
0x9: {  	[smem:$0x3FAF] =	sst s1  }
0xa: {  	[smem:$0x3FB0] =	sst s2  }
0xb: {  	[smem:$0x3FB1] =	sst s3  }
0xc: {  	[smem:$0x3FB2] =	sst s4  }
0xd: {  	[smem:$0x3FB3] =	sst s5  }
0xe: {  	[smem:$0x3FB4] =	sst s6  }
0xf: {  	[smem:$0x3FB5] =	sst s7  }
0x10: {  	[smem:$0x3FB6] =	sst s8  }
0x11: {  	[smem:$0x3FB7] =	sst s9;
	s0 =	simm.s32 @!p0 $0x0  }
0x12: {  	s1 =	sld [smem:$0x3F9D];
	s0 =	simm.s32 @p0 $0x1  }
0x13: {  	[smem:$0x3FB8] =	sst s0;
	s0 =	simm.s32 @!p1 $0x0  }
0x14: {  	s2 =	sld [smem:$0x3F9C];
	s0 =	simm.s32 @p1 $0x1  }
0x15: {  	[smem:$0x3FB9] =	sst s0;
	s0 =	simm.s32 @!p2 $0x0  }
0x16: {  	s3 =	sld [smem:$0x3FDB];
	s0 =	simm.s32 @p2 $0x1  }
0x17: {  	s4 =	simm.s32 $0x1BF5;
	[smem:$0x3FBB] =	sst s0  }
0x18: {  	s0 =	sld [smem:$0x3F9E];
	_ =	swait.ge [sflag:s4], $0x0  }
0x19: {  	s7 =	sld [smem:$0x3F9F]  }
0x1a: {  	s8 =	sadd.s32 $0xFFFFE003, lr  }
0x1b: {  	s9 =	sadd.s32 $0xFFFFFEF7, lr;
	s5 =	simm.s32 $0xFFFFFFFF;
	p2 =	slt.u32 s8, $0xFFFFF086  }
0x1c: {  	p1 =	slt.u32 s9, $0xF7A;
	s5 =	simm.s32 @!p2 $0x0  }
0x1d: {  	s5 =	simm.s32 @p1 $0x1;
	p0 =	seq.s32 s7, s2  }
0x1e: {  	s7 =	smul.u32 @!p0 $0xF7A, s2;
	p2 =	seq.s32 @!p0 s5, $0x0  }
0x1f: {  	s9 =	smul.u32 $0xF7A, s1;
	s8 =	simm.s32 @!p0 $0x1BF5;
	p2 =	por !p2, p0  }
0x20: {  	[sflag:s8] =	ssyncset.s32 @!p0 $0xFFFFF086;
	s6 =	sadd.s32 @!p0 s3, s7;
	s7 =	simm.s32 @!p0 $0x108  }
0x21: {  	s3 =	sadd.s32 s3, s9;
	s6 =	sadd.s32 @!p0 $0x88, s6;
	s7 =	simm.s32 @p2 $0x1082  }
0x22: {  	[simem:s7], [sflag:s8] =	dma.local @!p0 [hbm:s6], $0xF7A  }
0x23: {  	s9 =	sor.u32 $0xD0000000, s2;
	s6 =	simm.s32 $0x108;
	_ =	swait.ge @!p0 [sflag:s8], $0x0  }
0x24: {  	s3 =	sadd.s32 $0x88, s3;
	s6 =	simm.s32 @!p1 $0x1082;
	[sflag:s4] =	ssyncset.s32 $0xFFFFF086  }
0x25: {  	[simem:s6], [sflag:s4] =	dma.local [hbm:s3], $0xF7A  }
0x26: {  	[smem:$0x3F9F] =	sst s1;
	(tag) =	ssettag s2;
	_ =	strace s9  }
0x27: {  	s1 =	sld [smem:$0x3FAF]  }
0x28: {  	s2 =	sld [smem:$0x3FB0]  }
0x29: {  	s4 =	sld [smem:$0x3FB2]  }
0x2a: {  	p0 =	seq.s32 s5, $0x0;
	s5 =	sld [smem:$0x3FB3]  }
0x2b: {  	s6 =	sld [smem:$0x3FB4]  }
0x2c: {  	s7 =	sld [smem:$0x3FB5]  }
0x2d: {  	s3 =	simm.s32 $0x108;
	s8 =	sld [smem:$0x3FB6]  }
0x2e: {  	s3 =	simm.s32 @!p0 $0x1082;
	s9 =	sld [smem:$0x3FB7]  }
0x2f: {  	lr =	sadd.s32 s0, s3;
	s0 =	sld [smem:$0x3FAE]  }
0x30: {  	s3 =	sld [smem:$0x3FB1]  }
0x31: {  	[smem:$0x3FBA] =	sst s10  }
0x32: {  	s10 =	sld [smem:$0x3FB8];
	_ =	sdelay $0x3  }
0x33: {  	p0 =	seq.s32 s10, $0x1;
	s10 =	sld [smem:$0x3FBA];
	_ =	sdelay $0x3  }
0x34: {  	[smem:$0x3FBA] =	sst s10  }
0x35: {  	s10 =	sld [smem:$0x3FB9];
	_ =	sdelay $0x3  }
0x36: {  	p1 =	seq.s32 s10, $0x1;
	s10 =	sld [smem:$0x3FBA];
	_ =	sdelay $0x3  }
0x37: {  	[smem:$0x3FBA] =	sst s10  }
0x38: {  	s10 =	sld [smem:$0x3FBB]  }
0x39: {  	_ = 	snop;
	(pc) =	sbr.ind lr, $3  }
0x3a: {  	_ = 	snop  }
0x3b: {  	_ = 	snop  }
0x3c: {  	p2 =	seq.s32 s10, $0x1;
	s10 =	sld [smem:$0x3FBA]  }
0x3d: {  	_ =	shalt  }
0x3e: {  	_ =	shalt  }
0x3f: {  	_ =	shalt  }
0x40: {  	_ =	shalt  }
0x41: {  	_ =	shalt  }
0x42: {  	_ =	shalt  }
0x43: {  	_ =	shalt  }
0x44: {  	_ =	shalt  }
0x45: {  	_ =	shalt  }
0x46: {  	_ =	shalt  }
0x47: {  	_ =	shalt  }
0x48: {  	_ =	shalt  }
0x49: {  	_ =	shalt  }
0x4a: {  	_ =	shalt  }
0x4b: {  	_ =	shalt  }
0x4c: {  	_ =	shalt  }
0x4d: {  	_ =	shalt  }
0x4e: {  	_ =	shalt  }
0x4f: {  	_ =	shalt  }
0x50: {  	_ =	shalt  }
0x51: {  	_ =	shalt  }
0x52: {  	_ =	shalt  }
0x53: {  	_ =	shalt  }
0x54: {  	_ =	shalt  }
0x55: {  	_ =	shalt  }
0x56: {  	_ =	shalt  }
0x57: {  	_ =	shalt  }
0x58: {  	_ =	shalt  }
0x59: {  	_ =	shalt  }
0x5a: {  	_ =	shalt  }
0x5b: {  	_ =	shalt  }
0x5c: {  	_ =	shalt  }
0x5d: {  	_ =	shalt  }
0x5e: {  	_ =	shalt  }
0x5f: {  	_ =	shalt  }
0x60: {  	_ =	shalt  }
0x61: {  	_ =	shalt  }
0x62: {  	_ =	shalt  }
0x63: {  	_ =	shalt  }
0x64: {  	_ =	shalt  }
0x65: {  	_ =	shalt  }
0x66: {  	_ =	shalt  }
0x67: {  	_ =	shalt  }
0x68: {  	_ =	shalt  }
0x69: {  	_ =	shalt  }
0x6a: {  	_ =	shalt  }
0x6b: {  	_ =	shalt  }
0x6c: {  	_ =	shalt  }
0x6d: {  	_ =	shalt  }
0x6e: {  	_ =	shalt  }
0x6f: {  	_ =	shalt  }
0x70: {  	_ =	shalt  }
0x71: {  	_ =	shalt  }
0x72: {  	_ =	shalt  }
0x73: {  	_ =	shalt  }
0x74: {  	_ =	shalt  }
0x75: {  	_ =	shalt  }
0x76: {  	_ =	shalt  }
0x77: {  	_ =	shalt  }
0x78: {  	_ =	shalt  }
0x79: {  	_ =	shalt  }
0x7a: {  	_ =	shalt  }
0x7b: {  	_ =	shalt  }
0x7c: {  	_ =	shalt  }
0x7d: {  	_ =	shalt  }
0x7e: {  	_ =	shalt  }
0x7f: {  	_ =	shalt  }
0x80: {  	_ =	shalt  }
0x81: {  	_ =	shalt  }
0x82: {  	_ =	shalt  }
0x83: {  	_ =	shalt  }
0x84: {  	_ =	shalt  }
0x85: {  	_ =	shalt  }
0x86: {  	_ =	shalt  }
0x87: {  	_ =	shalt  }
.Lfunc_end0:
.L_simem_size_0:
called_computation.1_lowered:
.L_overlay_start_0:
0x88: {  	s2 =	sld [smem:$0x3FD9]  }
0x89: {  	s3 =	sld [smem:$0x3FFE];
	_ =	sdelay $0x1  }
0x8a: {  	s1 =	srdreg.scid  }
0x8b: {  	s0 =	sand.u32 $0x1, s1  }
0x8c: {  	s17 =	sshll.u32 s0, $0xA;
	s2 =	sadd.s32 s3, s2  }
0x8d: {  	s2 =	sadd.s32 s2, s17  }
0x8e: {  	[smem:$0x3FC6] =	sst s2  }
0x8f: {  	_ = 	snop  }
0x90: {  	s2 =	sld [smem:$0x3FD0];
	(tm) =	ssettm $0x1  }
0x91: {  	s18 =	sld [smem:$0x3FFB];
	_ =	sdelay $0x3  }
0x92: {  	_ =	strace s18  }
0x93: {  	s3 =	sld [smem:$0x3FFC];
	_ =	sdelay $0x3  }
0x94: {  	_ =	strace s3  }
0x95: {  	s3 =	sld [smem:$0x3FFD];
	_ =	sdelay $0x3  }
0x96: {  	_ =	strace s3  }
0x97: {  	_ =	strace $0x8FFFFFFF  }
0x98: {  	s19 =	sld [smem:$0x3FDB];
	_ =	sdelay $0x1  }
0x99: {  	s4 =	simm.s32 $_scs_section_size  }
0x9a: {  	s5 =	simm.s32 $_size__tile_overlayer_lowered;
	s6 =	simm.s32 $_tile_overlayer_lowered  }
0x9b: {  	s22 =	simm.s32 $0x1BFF;
	s21 =	sshll.u32 s6, $0x1;
	s3 =	sadd.s32 s4, s19  }
0x9c: {  	s7 =	simm.s32 $0x0;
	s20 =	sshll.u32 s5, $0x1;
	s5 =	sadd.s32 s21, s3  }
0x9d: {  	[timem:s7], [sflag:s22] =	dma.local [hbm:s5], s20  }
0x9e: {  	_ =	swait.ge [sflag:s22], s20  }
0x9f: {  	s4 =	ssub.s32 $0x0, s20;
	[sflag:s22] =	ssyncset.done $0x0  }
0xa0: {  	[sflag:s22] =	ssyncadd.s32 s4;
	_ =	sdelay $0x1  }
0xa1: {  	s23 =	simm.s32 $0x1B8B  }
0xa2: {  	_ =	swait.ge [sflag:s23], $0x1  }
0xa3: {  	[sflag:s23] =	ssyncset.done $0x0  }
0xa4: {  	s25 =	simm.s32 $0x1B8E;
	s24 =	sld [smem:$0x3FFE];
	[sflag:s23] =	ssyncadd.s32 $0xFFFFFFFF  }
0xa5: {  	s26 =	simm.s32 $execute0_lowered;
	[smem:$0x3FD2] =	sst s25  }
0xa6: {  	s5 =	sshll.u32 s26, $0x1;
	_ =	strace $0x80000046;
	[dreg:$0x1] =	wrdreg $0xFFFFFFFF  }
0xa7: {  	s28 =	simm.s32 $_size_execute0_lowered;
	s3 =	sadd.s32 s3, s5;
	[dreg:$0x0] =	wrdreg $0x0  }
0xa8: {  	s5 =	sshll.u32 s28, $0x1;
	[dreg:$0x2] =	wrdreg s3  }
0xa9: {  	[dreg:$0x3] =	wrdreg s5  }
0xaa: {  	[dreg:$0x4] =	wrdreg $0xC0  }
0xab: {  	_ =	task [dreg:s7], $0x5FFFF  }
0xac: {  	[dreg:$0x1] =	wrdreg $0xFFFFFFFF  }
0xad: {  	[dreg:$0x0] =	wrdreg $0x60  }
0xae: {  	[dreg:$0x2] =	wrdreg s24  }
0xaf: {  	[dreg:$0x3] =	wrdreg s2  }
0xb0: {  	[dreg:$0x4] =	wrdreg $0x9  }
0xb1: {  	_ =	task.clear_ibuf [dreg:s7], $0x5FFFF;
	_ =	strace $0x90000046  }
0xb2: {  	s29 =	simm.s32 $0x9;
	_ =	strace $0x80000048  }
0xb3: {  	_ =	swait.ge [sflag:s29], $0x1  }
0xb4: {  	[sflag:s29] =	ssyncadd.s32 $0xFFFFFFFF  }
0xb5: {  	_ =	strace $0x90000048  }
0xb6: {  	_ =	sfence  }
0xb7: {  	s30 =	sld [smem:$0x0];
	_ =	sdelay $0x2  }
0xb8: {  	s31 =	sshll.u32 s1, $0xD;
	s1 =	sshrl.u32 s1, $0x2  }
0xb9: {  	s3 =	sand.u32 $0x4000, s31;
	s1 =	sadd.s32 s1, s30  }
0xba: {  	s0 =	sor.u32 s3, s0;
	s1 =	sshll.u32 s1, $0x11  }
0xbb: {  	s0 =	sor.u32 s1, s0  }
0xbc: {  	s0 =	sadd.s32 $0x8F2B, s0  }
0xbd: {  	[sflag:s0] =	ssyncadd.remote.s32 $0x1  }
0xbe: {  	_ =	sfence.sel $0xFFFF  }
0xbf: {  	[dreg:$0x0] =	wrdreg $0xFFFFFFFF;
	(pc) =	sbr.abs _section_cstart, $3  }
0xc0: {  	[dreg:$0x1] =	wrdreg $0xFFFFFFFF  }
0xc1: {  	_ =	task.clear_ibuf [dreg:s7], $0x2FFFF;
	_ =	strace $0x9FFFFFFF  }
0xc2: {  	(tm) =	ssettm $0x7FFFFFFF  }
0xc3: {  	_ =	shalt  }
tec
execute0_lowered:
.L_overlay_start_1:
0x0: {  	(tag) =	ssettag $0x1  }
0x1: {  	s0 =	rddreg [dreg:$0x0]  }
0x2: {  	s1 =	rddreg [dreg:$0x1]  }
0x3: {  	s3 =	srdreg.scid;
	s10 =	stileid.u32  }
0x4: {  	s2 =	simm.s32 $0x0;
	s15 =	simm.s32 $0x1;
	s16 =	simm.s32 $0x80  }
0x5: {  	s14 =	simm.s32 $0x280;
	s13 =	simm.s32 $0x5800;
	s19 =	smul.u32 $0x640, s10  }
0x6: {  	s4 =	sand.u32 $0x1, s3;
	s17 =	sshll.u32 s10, $0x1;
	s24 =	smul.u32 $0x32000, s10  }
0x7: {  	[smem:$0x7FF] =	sst s2;
	s7 =	sadd.s32 $0x62400, s0;
	s22 =	smul.u32 $0x320, s4  }
0x8: {  	s5 =	sor.u32 s4, s17;
	s8 =	ssub.s32 $0x2, s4;
	s4 =	smul.u32 $0x19000, s4  }
0x9: {  	s3 =	sadd.s32 $0x800, s0;
	s10 =	simm.s32 $0x2800;
	s6 =	smul.u32 $0x3200, s5  }
0xa: {  	_ =	strace $0x80000047;
	s9 =	smul.u32 $0x64000, s5;
	s18 =	sshrl.u32 s8, $0x1  }
0xb: {  	s17 =	simm.s32 $0x0;
	s5 =	smul.u32 $0x320000, s5;
	s0 =	ssub.s32 s8, s18  }
0xc: {  	s4 =	sadd.s32 s4, s24;
	s8 =	simm.s32 $0x1800;
	s18 =	simm.s32 $0x300  }
0xd: {  	s24 =	simm.s32 $0x4;
	s11 =	sadd.s32 s7, s6;
	s12 =	sadd.s32 s1, s9  }
0xe: {  	s5 =	sshrl.u32 s5, $0x3;
	s6 =	sadd.s32 s22, s19;
	s4 =	sshll.u32 s4, $0x2  }
0xf: {  	s0 =	smax.u32 s0, $0x1;
	s9 =	simm.s32 $0x100;
	s19 =	simm.s32 $0x6800  }
0x10: {  	s22 =	simm.s32 $0x3;
	s20 =	sadd.s32 $0x80, s11;
	[dreg:$0x5] =	wrdreg s11  }
0x11: {  	s21 =	sadd.s32 $0x100, s11;
	s23 =	sadd.s32 $0x180, s11;
	[dreg:$0x8] =	wrdreg s12  }
0x12: {  	s25 =	sadd.s32 $0x1000, s12;
	s5 =	sadd.s32 s1, s5;
	[dreg:$0xd] =	wrdreg s0  }
0x13: {  	s6 =	sshll.u32 s6, $0x4;
	s1 =	sadd.s32 s4, s1;
	[dreg:$0x6] =	wrdreg s20  }
0x14: {  	s11 =	simm.s32 $0x180;
	s12 =	simm.s32 $0x200;
	[dreg:$0x7] =	wrdreg s21  }
0x15: {  	s4 =	simm.s32 $0x4800;
	s0 =	simm.s32 $0x400;
	[dreg:$0x9] =	wrdreg s23  }
0x16: {  	[dreg:$0xa] =	wrdreg s25;
	s26 =	sadd.s32 $0x62000, s5;
	s6 =	sadd.s32 s7, s6  }
0x17: {  	s5 =	sadd.s32 $0x63000, s5;
	s30 =	sadd.s32 $0x3000, s1;
	[dreg:$0xb] =	wrdreg s26  }
0x18: {  	s31 =	sadd.s32 $0x2000, s1;
	s7 =	simm.s32 $0x3800;
	[dreg:$0xc] =	wrdreg s5  }
0x19: {  	s20 =	simm.s32 $0x380;
	s21 =	simm.s32 $0x7800;
	[dreg:$0xe] =	wrdreg s30  }
0x1a: {  	s1 =	simm.s32 $0x2;
	s28 =	sadd.s32 $0x280, s6;
	[dreg:$0xf] =	wrdreg s31  }
0x1b: {  	s23 =	simm.s32 $0x5;
	s29 =	sadd.s32 $0x200, s6;
	[dreg:$0x3] =	wrdreg s28  }
0x1c: {  	s25 =	simm.s32 $0x6;
	s5 =	simm.s32 $0x8800;
	[dreg:$0x4] =	wrdreg s29  }
.LBB2_1:
0x1d: {  	[dreg:$0x10] =	wrdreg s17  }
0x1e: {  	s6 =	rddreg [dreg:$0x5]  }
0x1f: {  	[tilespmem:s2], [sflag:$0x1] =	stream.linear.gather [hbm4b:s6+s2], $0x400, $0x38;
	[tilespmem:$0x10800] =	vst v63  }
0x20: {  	_ =	swait.ge [sflag:s15], $0x400  }
0x21: {  	[sflag:s15] =	ssyncset.done $0x0  }
0x22: {  	s17 =	simm.s32 $0x800;
	[sflag:s15] =	ssyncadd.s32 $0xFFFFFC00  }
0x23: {  	[tilespmem:s17], [sflag:$0x3] =	stream.indirect.gather [hbm4b:s3+s16], $0x20, s2, s16, $0xb8;
	[tilespmem:$0x10800] =	vst v63  }
0x24: {  	_ = 	snop  }
0x25: {  	[tilespmem:s8], [sflag:$0x3] =	stream.indirect.gather [hbm4b:s3+s16], $0x20, s16, s16, $0xb8;
	[tilespmem:$0x10800] =	vst v63  }
0x26: {  	_ = 	snop  }
0x27: {  	[tilespmem:s10], [sflag:$0x3] =	stream.indirect.gather [hbm4b:s3+s16], $0x20, s9, s16, $0xb8;
	[tilespmem:$0x10800] =	vst v63  }
0x28: {  	_ = 	snop  }
0x29: {  	[tilespmem:s7], [sflag:$0x3] =	stream.indirect.gather [hbm4b:s3+s16], $0x20, s11, s16, $0xb8;
	[tilespmem:$0x10800] =	vst v63  }
0x2a: {  	_ = 	snop  }
0x2b: {  	[tilespmem:s4], [sflag:$0x3] =	stream.indirect.gather [hbm4b:s3+s16], $0x20, s12, s16, $0xb8;
	[tilespmem:$0x10800] =	vst v63  }
0x2c: {  	_ = 	snop  }
0x2d: {  	[tilespmem:s13], [sflag:$0x3] =	stream.indirect.gather [hbm4b:s3+s16], $0x20, s14, s16, $0xb8;
	[tilespmem:$0x10800] =	vst v63  }
0x2e: {  	_ = 	snop  }
0x2f: {  	[tilespmem:s19], [sflag:$0x3] =	stream.indirect.gather [hbm4b:s3+s16], $0x20, s18, s16, $0xb8;
	[tilespmem:$0x10800] =	vst v63  }
0x30: {  	_ = 	snop  }
0x31: {  	[tilespmem:s21], [sflag:$0x3] =	stream.indirect.gather [hbm4b:s3+s16], $0x20, s20, s16, $0xb8;
	[tilespmem:$0x10800] =	vst v63  }
0x32: {  	s26 =	rddreg [dreg:$0x6]  }
0x33: {  	[tilespmem:s0], [sflag:$0x2] =	stream.linear.gather [hbm4b:s26+s2], $0x400, $0x38;
	[tilespmem:$0x10800] =	vst v63  }
0x34: {  	_ =	swait.ge [sflag:s1], $0x400  }
0x35: {  	[sflag:s1] =	ssyncset.done $0x0  }
0x36: {  	[sflag:s1] =	ssyncadd.s32 $0xFFFFFC00  }
0x37: {  	[tilespmem:s5], [sflag:$0x4] =	stream.indirect.gather [hbm4b:s3+s16], $0x20, s0, s16, $0xb8;
	[tilespmem:$0x10800] =	vst v63  }
0x38: {  	s31 =	simm.s32 $0x480;
	s28 =	simm.s32 $0x9800  }
0x39: {  	[tilespmem:s28], [sflag:$0x4] =	stream.indirect.gather [hbm4b:s3+s16], $0x20, s31, s16, $0xb8;
	[tilespmem:$0x10800] =	vst v63  }
0x3a: {  	s30 =	simm.s32 $0xA800;
	s26 =	simm.s32 $0x500  }
0x3b: {  	[tilespmem:s30], [sflag:$0x4] =	stream.indirect.gather [hbm4b:s3+s16], $0x20, s26, s16, $0xb8;
	[tilespmem:$0x10800] =	vst v63  }
0x3c: {  	s31 =	simm.s32 $0x580;
	s26 =	simm.s32 $0xB800  }
0x3d: {  	[tilespmem:s26], [sflag:$0x4] =	stream.indirect.gather [hbm4b:s3+s16], $0x20, s31, s16, $0xb8;
	[tilespmem:$0x10800] =	vst v63  }
0x3e: {  	s29 =	simm.s32 $0xC800;
	s31 =	simm.s32 $0x600  }
0x3f: {  	[tilespmem:s29], [sflag:$0x4] =	stream.indirect.gather [hbm4b:s3+s16], $0x20, s31, s16, $0xb8;
	[tilespmem:$0x10800] =	vst v63  }
0x40: {  	s26 =	simm.s32 $0x680;
	s31 =	simm.s32 $0xD800  }
0x41: {  	[tilespmem:s31], [sflag:$0x4] =	stream.indirect.gather [hbm4b:s3+s16], $0x20, s26, s16, $0xb8;
	[tilespmem:$0x10800] =	vst v63  }
0x42: {  	s6 =	simm.s32 $0x700;
	s26 =	simm.s32 $0xE800  }
0x43: {  	[tilespmem:s26], [sflag:$0x4] =	stream.indirect.gather [hbm4b:s3+s16], $0x20, s6, s16, $0xb8;
	[tilespmem:$0x10800] =	vst v63  }
0x44: {  	s6 =	simm.s32 $0x780;
	s26 =	simm.s32 $0xF800  }
0x45: {  	[tilespmem:s26], [sflag:$0x4] =	stream.indirect.gather [hbm4b:s3+s16], $0x20, s6, s16, $0xb8;
	[tilespmem:$0x10800] =	vst v63  }
0x46: {  	_ =	swait.ge [sflag:s22], $0x1000  }
0x47: {  	[sflag:s22] =	ssyncset.done $0x0  }
0x48: {  	[sflag:s22] =	ssyncadd.s32 $0xFFFFF000  }
0x49: {  	_ =	swait.ge [sflag:s22], $0x1000  }
0x4a: {  	[sflag:s22] =	ssyncset.done $0x0  }
0x4b: {  	[sflag:s22] =	ssyncadd.s32 $0xFFFFF000  }
0x4c: {  	_ =	swait.ge [sflag:s22], $0x1000  }
0x4d: {  	[sflag:s22] =	ssyncset.done $0x0  }
0x4e: {  	[sflag:s22] =	ssyncadd.s32 $0xFFFFF000  }
0x4f: {  	_ =	swait.ge [sflag:s22], $0x1000  }
0x50: {  	[sflag:s22] =	ssyncset.done $0x0  }
0x51: {  	[sflag:s22] =	ssyncadd.s32 $0xFFFFF000  }
0x52: {  	_ =	swait.ge [sflag:s22], $0x1000  }
0x53: {  	[sflag:s22] =	ssyncset.done $0x0  }
0x54: {  	[sflag:s22] =	ssyncadd.s32 $0xFFFFF000  }
0x55: {  	_ =	swait.ge [sflag:s22], $0x1000  }
0x56: {  	[sflag:s22] =	ssyncset.done $0x0  }
0x57: {  	[sflag:s22] =	ssyncadd.s32 $0xFFFFF000  }
0x58: {  	_ =	swait.ge [sflag:s22], $0x1000  }
0x59: {  	[sflag:s22] =	ssyncset.done $0x0  }
0x5a: {  	[sflag:s22] =	ssyncadd.s32 $0xFFFFF000  }
0x5b: {  	_ =	swait.ge [sflag:s22], $0x1000  }
0x5c: {  	[sflag:s22] =	ssyncset.done $0x0  }
0x5d: {  	s6 =	rddreg [dreg:$0x7];
	[sflag:s22] =	ssyncadd.s32 $0xFFFFF000  }
0x5e: {  	[tilespmem:s2], [sflag:$0x1] =	stream.linear.gather [hbm4b:s6+s2], $0x400, $0x38;
	[tilespmem:$0x10800] =	vst v63  }
0x5f: {  	s6 =	rddreg [dreg:$0x8]  }
0x60: {  	[hbm4b:s6+s2] =	stream.linear.scatter [tilespmem:s17], [sflag:$0x5], $0x8000, $0x38;
	[tilespmem:$0x10800] =	vst v63  }
0x61: {  	_ =	swait.ge [sflag:s15], $0x400  }
0x62: {  	[sflag:s15] =	ssyncset.done $0x0  }
0x63: {  	[sflag:s15] =	ssyncadd.s32 $0xFFFFFC00  }
0x64: {  	_ =	swait.ge [sflag:s23], $0x8000  }
0x65: {  	[sflag:s23] =	ssyncset.done $0x0  }
0x66: {  	[sflag:s23] =	ssyncadd.s32 $0xFFFF8000  }
0x67: {  	[tilespmem:s17], [sflag:$0x3] =	stream.indirect.gather [hbm4b:s3+s16], $0x20, s2, s16, $0xb8;
	[tilespmem:$0x10800] =	vst v63  }
0x68: {  	_ = 	snop  }
0x69: {  	[tilespmem:s8], [sflag:$0x3] =	stream.indirect.gather [hbm4b:s3+s16], $0x20, s16, s16, $0xb8;
	[tilespmem:$0x10800] =	vst v63  }
0x6a: {  	_ = 	snop  }
0x6b: {  	[tilespmem:s10], [sflag:$0x3] =	stream.indirect.gather [hbm4b:s3+s16], $0x20, s9, s16, $0xb8;
	[tilespmem:$0x10800] =	vst v63  }
0x6c: {  	_ = 	snop  }
0x6d: {  	[tilespmem:s7], [sflag:$0x3] =	stream.indirect.gather [hbm4b:s3+s16], $0x20, s11, s16, $0xb8;
	[tilespmem:$0x10800] =	vst v63  }
0x6e: {  	_ = 	snop  }
0x6f: {  	[tilespmem:s4], [sflag:$0x3] =	stream.indirect.gather [hbm4b:s3+s16], $0x20, s12, s16, $0xb8;
	[tilespmem:$0x10800] =	vst v63  }
0x70: {  	_ = 	snop  }
0x71: {  	[tilespmem:s13], [sflag:$0x3] =	stream.indirect.gather [hbm4b:s3+s16], $0x20, s14, s16, $0xb8;
	[tilespmem:$0x10800] =	vst v63  }
0x72: {  	_ = 	snop  }
0x73: {  	[tilespmem:s19], [sflag:$0x3] =	stream.indirect.gather [hbm4b:s3+s16], $0x20, s18, s16, $0xb8;
	[tilespmem:$0x10800] =	vst v63  }
0x74: {  	_ = 	snop  }
0x75: {  	[tilespmem:s21], [sflag:$0x3] =	stream.indirect.gather [hbm4b:s3+s16], $0x20, s20, s16, $0xb8;
	[tilespmem:$0x10800] =	vst v63  }
0x76: {  	_ =	swait.ge [sflag:s24], $0x1000  }
0x77: {  	[sflag:s24] =	ssyncset.done $0x0  }
0x78: {  	[sflag:s24] =	ssyncadd.s32 $0xFFFFF000  }
0x79: {  	_ =	swait.ge [sflag:s24], $0x1000  }
0x7a: {  	[sflag:s24] =	ssyncset.done $0x0  }
0x7b: {  	[sflag:s24] =	ssyncadd.s32 $0xFFFFF000  }
0x7c: {  	_ =	swait.ge [sflag:s24], $0x1000  }
0x7d: {  	[sflag:s24] =	ssyncset.done $0x0  }
0x7e: {  	[sflag:s24] =	ssyncadd.s32 $0xFFFFF000  }
0x7f: {  	_ =	swait.ge [sflag:s24], $0x1000  }
0x80: {  	[sflag:s24] =	ssyncset.done $0x0  }
0x81: {  	[sflag:s24] =	ssyncadd.s32 $0xFFFFF000  }
0x82: {  	_ =	swait.ge [sflag:s24], $0x1000  }
0x83: {  	[sflag:s24] =	ssyncset.done $0x0  }
0x84: {  	[sflag:s24] =	ssyncadd.s32 $0xFFFFF000  }
0x85: {  	_ =	swait.ge [sflag:s24], $0x1000  }
0x86: {  	[sflag:s24] =	ssyncset.done $0x0  }
0x87: {  	[sflag:s24] =	ssyncadd.s32 $0xFFFFF000  }
0x88: {  	_ =	swait.ge [sflag:s24], $0x1000  }
0x89: {  	[sflag:s24] =	ssyncset.done $0x0  }
0x8a: {  	[sflag:s24] =	ssyncadd.s32 $0xFFFFF000  }
0x8b: {  	_ =	swait.ge [sflag:s24], $0x1000  }
0x8c: {  	[sflag:s24] =	ssyncset.done $0x0  }
0x8d: {  	s6 =	rddreg [dreg:$0x9];
	[sflag:s24] =	ssyncadd.s32 $0xFFFFF000  }
0x8e: {  	[tilespmem:s0], [sflag:$0x2] =	stream.linear.gather [hbm4b:s6+s2], $0x400, $0x38;
	[tilespmem:$0x10800] =	vst v63  }
0x8f: {  	s6 =	rddreg [dreg:$0xa]  }
0x90: {  	[hbm4b:s6+s2] =	stream.linear.scatter [tilespmem:s5], [sflag:$0x6], $0x8000, $0x38;
	[tilespmem:$0x10800] =	vst v63  }
0x91: {  	_ =	swait.ge [sflag:s1], $0x400  }
0x92: {  	[sflag:s1] =	ssyncset.done $0x0  }
0x93: {  	[sflag:s1] =	ssyncadd.s32 $0xFFFFFC00  }
0x94: {  	_ =	swait.ge [sflag:s25], $0x8000  }
0x95: {  	[sflag:s25] =	ssyncset.done $0x0  }
0x96: {  	[sflag:s25] =	ssyncadd.s32 $0xFFFF8000  }
0x97: {  	[tilespmem:s5], [sflag:$0x4] =	stream.indirect.gather [hbm4b:s3+s16], $0x20, s0, s16, $0xb8;
	[tilespmem:$0x10800] =	vst v63  }
0x98: {  	s6 =	simm.s32 $0x480  }
0x99: {  	[tilespmem:s28], [sflag:$0x4] =	stream.indirect.gather [hbm4b:s3+s16], $0x20, s6, s16, $0xb8;
	[tilespmem:$0x10800] =	vst v63  }
0x9a: {  	s6 =	simm.s32 $0x500  }
0x9b: {  	[tilespmem:s30], [sflag:$0x4] =	stream.indirect.gather [hbm4b:s3+s16], $0x20, s6, s16, $0xb8;
	[tilespmem:$0x10800] =	vst v63  }
0x9c: {  	s28 =	simm.s32 $0xB800;
	s6 =	simm.s32 $0x580  }
0x9d: {  	[tilespmem:s28], [sflag:$0x4] =	stream.indirect.gather [hbm4b:s3+s16], $0x20, s6, s16, $0xb8;
	[tilespmem:$0x10800] =	vst v63  }
0x9e: {  	s6 =	simm.s32 $0x600  }
0x9f: {  	[tilespmem:s29], [sflag:$0x4] =	stream.indirect.gather [hbm4b:s3+s16], $0x20, s6, s16, $0xb8;
	[tilespmem:$0x10800] =	vst v63  }
0xa0: {  	s6 =	simm.s32 $0x680  }
0xa1: {  	[tilespmem:s31], [sflag:$0x4] =	stream.indirect.gather [hbm4b:s3+s16], $0x20, s6, s16, $0xb8;
	[tilespmem:$0x10800] =	vst v63  }
0xa2: {  	s28 =	simm.s32 $0xE800;
	s31 =	simm.s32 $0x700  }
0xa3: {  	[tilespmem:s28], [sflag:$0x4] =	stream.indirect.gather [hbm4b:s3+s16], $0x20, s31, s16, $0xb8;
	[tilespmem:$0x10800] =	vst v63  }
0xa4: {  	s31 =	simm.s32 $0x780  }
0xa5: {  	[tilespmem:s26], [sflag:$0x4] =	stream.indirect.gather [hbm4b:s3+s16], $0x20, s31, s16, $0xb8;
	[tilespmem:$0x10800] =	vst v63  }
0xa6: {  	_ =	swait.ge [sflag:s22], $0x1000  }
0xa7: {  	[sflag:s22] =	ssyncset.done $0x0  }
0xa8: {  	[sflag:s22] =	ssyncadd.s32 $0xFFFFF000  }
0xa9: {  	_ =	swait.ge [sflag:s22], $0x1000  }
0xaa: {  	[sflag:s22] =	ssyncset.done $0x0  }
0xab: {  	[sflag:s22] =	ssyncadd.s32 $0xFFFFF000  }
0xac: {  	_ =	swait.ge [sflag:s22], $0x1000  }
0xad: {  	[sflag:s22] =	ssyncset.done $0x0  }
0xae: {  	[sflag:s22] =	ssyncadd.s32 $0xFFFFF000  }
0xaf: {  	_ =	swait.ge [sflag:s22], $0x1000  }
0xb0: {  	[sflag:s22] =	ssyncset.done $0x0  }
0xb1: {  	[sflag:s22] =	ssyncadd.s32 $0xFFFFF000  }
0xb2: {  	_ =	swait.ge [sflag:s22], $0x1000  }
0xb3: {  	[sflag:s22] =	ssyncset.done $0x0  }
0xb4: {  	[sflag:s22] =	ssyncadd.s32 $0xFFFFF000  }
0xb5: {  	_ =	swait.ge [sflag:s22], $0x1000  }
0xb6: {  	[sflag:s22] =	ssyncset.done $0x0  }
0xb7: {  	[sflag:s22] =	ssyncadd.s32 $0xFFFFF000  }
0xb8: {  	_ =	swait.ge [sflag:s22], $0x1000  }
0xb9: {  	[sflag:s22] =	ssyncset.done $0x0  }
0xba: {  	[sflag:s22] =	ssyncadd.s32 $0xFFFFF000  }
0xbb: {  	_ =	swait.ge [sflag:s22], $0x1000  }
0xbc: {  	s6 =	rddreg [dreg:$0x4];
	[sflag:s22] =	ssyncset.done $0x0  }
0xbd: {  	[sflag:s22] =	ssyncadd.s32 $0xFFFFF000;
	s26 =	sadd.s32 $0x0, s6  }
0xbe: {  	[tilespmem:s2], [sflag:$0x1] =	stream.linear.gather [hbm4b:s26+s2], $0x400, $0x38;
	[tilespmem:$0x10800] =	vst v63  }
0xbf: {  	s6 =	rddreg [dreg:$0xf]  }
0xc0: {  	[hbm4b:s6+s2] =	stream.linear.scatter [tilespmem:s17], [sflag:$0x5], $0x8000, $0x38;
	[tilespmem:$0x10800] =	vst v63  }
0xc1: {  	_ =	swait.ge [sflag:s15], $0x400  }
0xc2: {  	[sflag:s15] =	ssyncset.done $0x0  }
0xc3: {  	[sflag:s15] =	ssyncadd.s32 $0xFFFFFC00  }
0xc4: {  	_ =	swait.ge [sflag:s23], $0x8000  }
0xc5: {  	[sflag:s23] =	ssyncset.done $0x0  }
0xc6: {  	[sflag:s23] =	ssyncadd.s32 $0xFFFF8000  }
0xc7: {  	[tilespmem:s17], [sflag:$0x3] =	stream.indirect.gather [hbm4b:s3+s16], $0x20, s2, s16, $0xb8;
	[tilespmem:$0x10800] =	vst v63  }
0xc8: {  	_ = 	snop  }
0xc9: {  	[tilespmem:s8], [sflag:$0x3] =	stream.indirect.gather [hbm4b:s3+s16], $0x20, s16, s16, $0xb8;
	[tilespmem:$0x10800] =	vst v63  }
0xca: {  	_ = 	snop  }
0xcb: {  	[tilespmem:s10], [sflag:$0x3] =	stream.indirect.gather [hbm4b:s3+s16], $0x20, s9, s16, $0xb8;
	[tilespmem:$0x10800] =	vst v63  }
0xcc: {  	_ = 	snop  }
0xcd: {  	[tilespmem:s7], [sflag:$0x3] =	stream.indirect.gather [hbm4b:s3+s16], $0x20, s11, s16, $0xb8;
	[tilespmem:$0x10800] =	vst v63  }
0xce: {  	_ = 	snop  }
0xcf: {  	[tilespmem:s4], [sflag:$0x3] =	stream.indirect.gather [hbm4b:s3+s16], $0x20, s12, s16, $0xb8;
	[tilespmem:$0x10800] =	vst v63  }
0xd0: {  	_ = 	snop  }
0xd1: {  	[tilespmem:s13], [sflag:$0x3] =	stream.indirect.gather [hbm4b:s3+s16], $0x20, s14, s16, $0xb8;
	[tilespmem:$0x10800] =	vst v63  }
0xd2: {  	_ = 	snop  }
0xd3: {  	[tilespmem:s19], [sflag:$0x3] =	stream.indirect.gather [hbm4b:s3+s16], $0x20, s18, s16, $0xb8;
	[tilespmem:$0x10800] =	vst v63  }
0xd4: {  	_ = 	snop  }
0xd5: {  	[tilespmem:s21], [sflag:$0x3] =	stream.indirect.gather [hbm4b:s3+s16], $0x20, s20, s16, $0xb8;
	[tilespmem:$0x10800] =	vst v63  }
0xd6: {  	_ =	swait.ge [sflag:s24], $0x1000  }
0xd7: {  	[sflag:s24] =	ssyncset.done $0x0  }
0xd8: {  	[sflag:s24] =	ssyncadd.s32 $0xFFFFF000  }
0xd9: {  	_ =	swait.ge [sflag:s24], $0x1000  }
0xda: {  	[sflag:s24] =	ssyncset.done $0x0  }
0xdb: {  	[sflag:s24] =	ssyncadd.s32 $0xFFFFF000  }
0xdc: {  	_ =	swait.ge [sflag:s24], $0x1000  }
0xdd: {  	[sflag:s24] =	ssyncset.done $0x0  }
0xde: {  	[sflag:s24] =	ssyncadd.s32 $0xFFFFF000  }
0xdf: {  	_ =	swait.ge [sflag:s24], $0x1000  }
0xe0: {  	[sflag:s24] =	ssyncset.done $0x0  }
0xe1: {  	[sflag:s24] =	ssyncadd.s32 $0xFFFFF000  }
0xe2: {  	_ =	swait.ge [sflag:s24], $0x1000  }
0xe3: {  	[sflag:s24] =	ssyncset.done $0x0  }
0xe4: {  	[sflag:s24] =	ssyncadd.s32 $0xFFFFF000  }
0xe5: {  	_ =	swait.ge [sflag:s24], $0x1000  }
0xe6: {  	s29 =	sadd.s32 $0x2000, s6;
	s8 =	simm.s32 $0x1800;
	[sflag:s24] =	ssyncset.done $0x0  }
0xe7: {  	s9 =	simm.s32 $0x100;
	s10 =	simm.s32 $0x2800;
	[sflag:s24] =	ssyncadd.s32 $0xFFFFF000  }
0xe8: {  	s11 =	simm.s32 $0x180;
	s7 =	simm.s32 $0x3800;
	_ =	swait.ge [sflag:s24], $0x1000  }
0xe9: {  	s12 =	simm.s32 $0x200;
	s4 =	simm.s32 $0x4800;
	[sflag:s24] =	ssyncset.done $0x0  }
0xea: {  	s14 =	simm.s32 $0x280;
	s13 =	simm.s32 $0x5800;
	[sflag:s24] =	ssyncadd.s32 $0xFFFFF000  }
0xeb: {  	s18 =	simm.s32 $0x300;
	s19 =	simm.s32 $0x6800;
	_ =	swait.ge [sflag:s24], $0x1000  }
0xec: {  	s20 =	simm.s32 $0x380;
	s31 =	rddreg [dreg:$0x3];
	[sflag:s24] =	ssyncset.done $0x0  }
0xed: {  	s30 =	rddreg [dreg:$0xe];
	[sflag:s24] =	ssyncadd.s32 $0xFFFFF000;
	s26 =	sadd.s32 $0x0, s31  }
0xee: {  	[tilespmem:s0], [sflag:$0x2] =	stream.linear.gather [hbm4b:s26+s2], $0x400, $0x38;
	[tilespmem:$0x10800] =	vst v63  }
0xef: {  	s21 =	simm.s32 $0x7800;
	s28 =	sadd.s32 $0x2000, s30;
	s26 =	simm.s32 $0x100  }
.LBB2_2:
0xf0: {  	[hbm4b:s30+s2] =	stream.linear.scatter [tilespmem:s5], [sflag:$0x6], $0x8000, $0x38;
	[tilespmem:$0x10800] =	vst v63  }
0xf1: {  	_ =	swait.ge [sflag:s1], $0x400  }
0xf2: {  	[sflag:s1] =	ssyncset.done $0x0  }
0xf3: {  	[sflag:s1] =	ssyncadd.s32 $0xFFFFFC00  }
0xf4: {  	_ =	swait.ge [sflag:s25], $0x8000  }
0xf5: {  	[sflag:s25] =	ssyncset.done $0x0  }
0xf6: {  	[sflag:s25] =	ssyncadd.s32 $0xFFFF8000  }
0xf7: {  	[tilespmem:s5], [sflag:$0x4] =	stream.indirect.gather [hbm4b:s3+s16], $0x20, s0, s16, $0xb8;
	[tilespmem:$0x10800] =	vst v63  }
0xf8: {  	s6 =	simm.s32 $0x480;
	s17 =	simm.s32 $0x9800  }
0xf9: {  	[tilespmem:s17], [sflag:$0x4] =	stream.indirect.gather [hbm4b:s3+s16], $0x20, s6, s16, $0xb8;
	[tilespmem:$0x10800] =	vst v63  }
0xfa: {  	s6 =	simm.s32 $0x500;
	s17 =	simm.s32 $0xA800  }
0xfb: {  	[tilespmem:s17], [sflag:$0x4] =	stream.indirect.gather [hbm4b:s3+s16], $0x20, s6, s16, $0xb8;
	[tilespmem:$0x10800] =	vst v63  }
0xfc: {  	s6 =	simm.s32 $0x580;
	s17 =	simm.s32 $0xB800  }
0xfd: {  	[tilespmem:s17], [sflag:$0x4] =	stream.indirect.gather [hbm4b:s3+s16], $0x20, s6, s16, $0xb8;
	[tilespmem:$0x10800] =	vst v63  }
0xfe: {  	s6 =	simm.s32 $0x600;
	s17 =	simm.s32 $0xC800  }
0xff: {  	[tilespmem:s17], [sflag:$0x4] =	stream.indirect.gather [hbm4b:s3+s16], $0x20, s6, s16, $0xb8;
	[tilespmem:$0x10800] =	vst v63  }
0x100: {  	s6 =	simm.s32 $0x680;
	s17 =	simm.s32 $0xD800  }
0x101: {  	[tilespmem:s17], [sflag:$0x4] =	stream.indirect.gather [hbm4b:s3+s16], $0x20, s6, s16, $0xb8;
	[tilespmem:$0x10800] =	vst v63  }
0x102: {  	s6 =	simm.s32 $0x700;
	s17 =	simm.s32 $0xE800  }
0x103: {  	[tilespmem:s17], [sflag:$0x4] =	stream.indirect.gather [hbm4b:s3+s16], $0x20, s6, s16, $0xb8;
	[tilespmem:$0x10800] =	vst v63  }
0x104: {  	s6 =	simm.s32 $0x780;
	s17 =	simm.s32 $0xF800  }
0x105: {  	[tilespmem:s17], [sflag:$0x4] =	stream.indirect.gather [hbm4b:s3+s16], $0x20, s6, s16, $0xb8;
	[tilespmem:$0x10800] =	vst v63  }
0x106: {  	_ =	swait.ge [sflag:s22], $0x1000  }
0x107: {  	[sflag:s22] =	ssyncset.done $0x0  }
0x108: {  	[sflag:s22] =	ssyncadd.s32 $0xFFFFF000  }
0x109: {  	_ =	swait.ge [sflag:s22], $0x1000  }
0x10a: {  	[sflag:s22] =	ssyncset.done $0x0  }
0x10b: {  	[sflag:s22] =	ssyncadd.s32 $0xFFFFF000  }
0x10c: {  	_ =	swait.ge [sflag:s22], $0x1000  }
0x10d: {  	[sflag:s22] =	ssyncset.done $0x0  }
0x10e: {  	[sflag:s22] =	ssyncadd.s32 $0xFFFFF000  }
0x10f: {  	_ =	swait.ge [sflag:s22], $0x1000  }
0x110: {  	[sflag:s22] =	ssyncset.done $0x0  }
0x111: {  	[sflag:s22] =	ssyncadd.s32 $0xFFFFF000  }
0x112: {  	_ =	swait.ge [sflag:s22], $0x1000  }
0x113: {  	[sflag:s22] =	ssyncset.done $0x0  }
0x114: {  	[sflag:s22] =	ssyncadd.s32 $0xFFFFF000  }
0x115: {  	_ =	swait.ge [sflag:s22], $0x1000  }
0x116: {  	[sflag:s22] =	ssyncset.done $0x0  }
0x117: {  	[sflag:s22] =	ssyncadd.s32 $0xFFFFF000  }
0x118: {  	_ =	swait.ge [sflag:s22], $0x1000  }
0x119: {  	[sflag:s22] =	ssyncset.done $0x0  }
0x11a: {  	[sflag:s22] =	ssyncadd.s32 $0xFFFFF000  }
0x11b: {  	_ =	swait.ge [sflag:s22], $0x1000  }
0x11c: {  	s31 =	smov.u32 s26;
	s17 =	rddreg [dreg:$0x4];
	[sflag:s22] =	ssyncset.done $0x0  }
0x11d: {  	[sflag:s22] =	ssyncadd.s32 $0xFFFFF000;
	s6 =	sadd.s32 s31, s17  }
0x11e: {  	[tilespmem:s2], [sflag:$0x1] =	stream.linear.gather [hbm4b:s6+s2], $0x400, $0x38;
	[tilespmem:$0x10800] =	vst v63  }
0x11f: {  	s6 =	simm.s32 $0x800  }
0x120: {  	[hbm4b:s29+s2] =	stream.linear.scatter [tilespmem:s6], [sflag:$0x5], $0x8000, $0x38;
	[tilespmem:$0x10800] =	vst v63  }
0x121: {  	_ =	swait.ge [sflag:s15], $0x400  }
0x122: {  	[sflag:s15] =	ssyncset.done $0x0  }
0x123: {  	[sflag:s15] =	ssyncadd.s32 $0xFFFFFC00  }
0x124: {  	_ =	swait.ge [sflag:s23], $0x8000  }
0x125: {  	[sflag:s23] =	ssyncset.done $0x0  }
0x126: {  	[sflag:s23] =	ssyncadd.s32 $0xFFFF8000  }
0x127: {  	[tilespmem:s6], [sflag:$0x3] =	stream.indirect.gather [hbm4b:s3+s16], $0x20, s2, s16, $0xb8;
	[tilespmem:$0x10800] =	vst v63  }
0x128: {  	_ = 	snop  }
0x129: {  	[tilespmem:s8], [sflag:$0x3] =	stream.indirect.gather [hbm4b:s3+s16], $0x20, s16, s16, $0xb8;
	[tilespmem:$0x10800] =	vst v63  }
0x12a: {  	_ = 	snop  }
0x12b: {  	[tilespmem:s10], [sflag:$0x3] =	stream.indirect.gather [hbm4b:s3+s16], $0x20, s9, s16, $0xb8;
	[tilespmem:$0x10800] =	vst v63  }
0x12c: {  	_ = 	snop  }
0x12d: {  	[tilespmem:s7], [sflag:$0x3] =	stream.indirect.gather [hbm4b:s3+s16], $0x20, s11, s16, $0xb8;
	[tilespmem:$0x10800] =	vst v63  }
0x12e: {  	_ = 	snop  }
0x12f: {  	[tilespmem:s4], [sflag:$0x3] =	stream.indirect.gather [hbm4b:s3+s16], $0x20, s12, s16, $0xb8;
	[tilespmem:$0x10800] =	vst v63  }
0x130: {  	_ = 	snop  }
0x131: {  	[tilespmem:s13], [sflag:$0x3] =	stream.indirect.gather [hbm4b:s3+s16], $0x20, s14, s16, $0xb8;
	[tilespmem:$0x10800] =	vst v63  }
0x132: {  	_ = 	snop  }
0x133: {  	[tilespmem:s19], [sflag:$0x3] =	stream.indirect.gather [hbm4b:s3+s16], $0x20, s18, s16, $0xb8;
	[tilespmem:$0x10800] =	vst v63  }
0x134: {  	_ = 	snop  }
0x135: {  	[tilespmem:s21], [sflag:$0x3] =	stream.indirect.gather [hbm4b:s3+s16], $0x20, s20, s16, $0xb8;
	[tilespmem:$0x10800] =	vst v63  }
0x136: {  	_ =	swait.ge [sflag:s24], $0x1000  }
0x137: {  	[sflag:s24] =	ssyncset.done $0x0  }
0x138: {  	[sflag:s24] =	ssyncadd.s32 $0xFFFFF000  }
0x139: {  	_ =	swait.ge [sflag:s24], $0x1000  }
0x13a: {  	[sflag:s24] =	ssyncset.done $0x0  }
0x13b: {  	[sflag:s24] =	ssyncadd.s32 $0xFFFFF000  }
0x13c: {  	_ =	swait.ge [sflag:s24], $0x1000  }
0x13d: {  	[sflag:s24] =	ssyncset.done $0x0  }
0x13e: {  	[sflag:s24] =	ssyncadd.s32 $0xFFFFF000  }
0x13f: {  	_ =	swait.ge [sflag:s24], $0x1000  }
0x140: {  	[sflag:s24] =	ssyncset.done $0x0  }
0x141: {  	[sflag:s24] =	ssyncadd.s32 $0xFFFFF000  }
0x142: {  	_ =	swait.ge [sflag:s24], $0x1000  }
0x143: {  	[sflag:s24] =	ssyncset.done $0x0  }
0x144: {  	[sflag:s24] =	ssyncadd.s32 $0xFFFFF000  }
0x145: {  	_ =	swait.ge [sflag:s24], $0x1000  }
0x146: {  	[sflag:s24] =	ssyncset.done $0x0  }
0x147: {  	[sflag:s24] =	ssyncadd.s32 $0xFFFFF000  }
0x148: {  	_ =	swait.ge [sflag:s24], $0x1000  }
0x149: {  	p0 =	sne.s32 s26, $0x2F00;
	[sflag:s24] =	ssyncset.done $0x0  }
.Ltmp0:
0x14a: {  	s30 =	smov.u32 s28;
	[sflag:s24] =	ssyncadd.s32 $0xFFFFF000;
	(pc) =	sbr.rel @p0 .LBB2_2-.Ltmp0, $4  }
0x14b: {  	s26 =	sadd.s32 $0x100, s26;
	s28 =	sadd.s32 $0x2000, s28;
	_ =	swait.ge [sflag:s24], $0x1000  }
0x14c: {  	s17 =	simm.s32 $0x800;
	s6 =	rddreg [dreg:$0x3];
	[sflag:s24] =	ssyncset.done $0x0  }
0x14d: {  	s29 =	sadd.s32 $0x2000, s29;
	[sflag:s24] =	ssyncadd.s32 $0xFFFFF000;
	s6 =	sadd.s32 s31, s6  }
0x14e: {  	[tilespmem:s0], [sflag:$0x2] =	stream.linear.gather [hbm4b:s6+s2], $0x400, $0x38;
	[tilespmem:$0x10800] =	vst v63  }
0x14f: {  	[hbm4b:s30+s2] =	stream.linear.scatter [tilespmem:s5], [sflag:$0x6], $0x8000, $0x38;
	[tilespmem:$0x10800] =	vst v63  }
0x150: {  	_ =	swait.ge [sflag:s1], $0x400  }
0x151: {  	[sflag:s1] =	ssyncset.done $0x0  }
0x152: {  	[sflag:s1] =	ssyncadd.s32 $0xFFFFFC00  }
0x153: {  	_ =	swait.ge [sflag:s25], $0x8000  }
0x154: {  	[sflag:s25] =	ssyncset.done $0x0  }
0x155: {  	[sflag:s25] =	ssyncadd.s32 $0xFFFF8000  }
0x156: {  	[tilespmem:s5], [sflag:$0x4] =	stream.indirect.gather [hbm4b:s3+s16], $0x20, s0, s16, $0xb8;
	[tilespmem:$0x10800] =	vst v63  }
0x157: {  	s4 =	simm.s32 $0x480;
	s6 =	simm.s32 $0x9800  }
0x158: {  	[tilespmem:s6], [sflag:$0x4] =	stream.indirect.gather [hbm4b:s3+s16], $0x20, s4, s16, $0xb8;
	[tilespmem:$0x10800] =	vst v63  }
0x159: {  	s8 =	simm.s32 $0x500;
	s9 =	simm.s32 $0xA800  }
0x15a: {  	[tilespmem:s9], [sflag:$0x4] =	stream.indirect.gather [hbm4b:s3+s16], $0x20, s8, s16, $0xb8;
	[tilespmem:$0x10800] =	vst v63  }
0x15b: {  	s10 =	simm.s32 $0x580;
	s11 =	simm.s32 $0xB800  }
0x15c: {  	[tilespmem:s11], [sflag:$0x4] =	stream.indirect.gather [hbm4b:s3+s16], $0x20, s10, s16, $0xb8;
	[tilespmem:$0x10800] =	vst v63  }
0x15d: {  	s12 =	simm.s32 $0x600;
	s13 =	simm.s32 $0xC800  }
0x15e: {  	[tilespmem:s13], [sflag:$0x4] =	stream.indirect.gather [hbm4b:s3+s16], $0x20, s12, s16, $0xb8;
	[tilespmem:$0x10800] =	vst v63  }
0x15f: {  	s14 =	simm.s32 $0x680;
	s18 =	simm.s32 $0xD800  }
0x160: {  	[tilespmem:s18], [sflag:$0x4] =	stream.indirect.gather [hbm4b:s3+s16], $0x20, s14, s16, $0xb8;
	[tilespmem:$0x10800] =	vst v63  }
0x161: {  	s19 =	simm.s32 $0x700;
	s20 =	simm.s32 $0xE800  }
0x162: {  	[tilespmem:s20], [sflag:$0x4] =	stream.indirect.gather [hbm4b:s3+s16], $0x20, s19, s16, $0xb8;
	[tilespmem:$0x10800] =	vst v63  }
0x163: {  	s21 =	simm.s32 $0x780;
	s26 =	simm.s32 $0xF800  }
0x164: {  	[tilespmem:s26], [sflag:$0x4] =	stream.indirect.gather [hbm4b:s3+s16], $0x20, s21, s16, $0xb8;
	[tilespmem:$0x10800] =	vst v63  }
0x165: {  	_ =	swait.ge [sflag:s22], $0x1000  }
0x166: {  	[sflag:s22] =	ssyncset.done $0x0  }
0x167: {  	[sflag:s22] =	ssyncadd.s32 $0xFFFFF000  }
0x168: {  	_ =	swait.ge [sflag:s22], $0x1000  }
0x169: {  	[sflag:s22] =	ssyncset.done $0x0  }
0x16a: {  	[sflag:s22] =	ssyncadd.s32 $0xFFFFF000  }
0x16b: {  	_ =	swait.ge [sflag:s22], $0x1000  }
0x16c: {  	[sflag:s22] =	ssyncset.done $0x0  }
0x16d: {  	[sflag:s22] =	ssyncadd.s32 $0xFFFFF000  }
0x16e: {  	_ =	swait.ge [sflag:s22], $0x1000  }
0x16f: {  	[sflag:s22] =	ssyncset.done $0x0  }
0x170: {  	[sflag:s22] =	ssyncadd.s32 $0xFFFFF000  }
0x171: {  	_ =	swait.ge [sflag:s22], $0x1000  }
0x172: {  	[sflag:s22] =	ssyncset.done $0x0  }
0x173: {  	[sflag:s22] =	ssyncadd.s32 $0xFFFFF000  }
0x174: {  	_ =	swait.ge [sflag:s22], $0x1000  }
0x175: {  	[sflag:s22] =	ssyncset.done $0x0  }
0x176: {  	[sflag:s22] =	ssyncadd.s32 $0xFFFFF000  }
0x177: {  	_ =	swait.ge [sflag:s22], $0x1000  }
0x178: {  	[sflag:s22] =	ssyncset.done $0x0  }
0x179: {  	[sflag:s22] =	ssyncadd.s32 $0xFFFFF000  }
0x17a: {  	_ =	swait.ge [sflag:s22], $0x1000  }
0x17b: {  	[sflag:s22] =	ssyncset.done $0x0  }
0x17c: {  	s28 =	rddreg [dreg:$0xb];
	[sflag:s22] =	ssyncadd.s32 $0xFFFFF000  }
0x17d: {  	[hbm4b:s28+s2] =	stream.linear.scatter [tilespmem:s17], [sflag:$0x5], $0x8000, $0x38;
	[tilespmem:$0x10800] =	vst v63  }
0x17e: {  	_ =	swait.ge [sflag:s24], $0x1000  }
0x17f: {  	[sflag:s24] =	ssyncset.done $0x0  }
0x180: {  	[sflag:s24] =	ssyncadd.s32 $0xFFFFF000  }
0x181: {  	_ =	swait.ge [sflag:s24], $0x1000  }
0x182: {  	[sflag:s24] =	ssyncset.done $0x0  }
0x183: {  	[sflag:s24] =	ssyncadd.s32 $0xFFFFF000  }
0x184: {  	_ =	swait.ge [sflag:s24], $0x1000  }
0x185: {  	[sflag:s24] =	ssyncset.done $0x0  }
0x186: {  	[sflag:s24] =	ssyncadd.s32 $0xFFFFF000  }
0x187: {  	_ =	swait.ge [sflag:s24], $0x1000  }
0x188: {  	[sflag:s24] =	ssyncset.done $0x0  }
0x189: {  	[sflag:s24] =	ssyncadd.s32 $0xFFFFF000  }
0x18a: {  	_ =	swait.ge [sflag:s24], $0x1000  }
0x18b: {  	[sflag:s24] =	ssyncset.done $0x0  }
0x18c: {  	[sflag:s24] =	ssyncadd.s32 $0xFFFFF000  }
0x18d: {  	_ =	swait.ge [sflag:s24], $0x1000  }
0x18e: {  	[sflag:s24] =	ssyncset.done $0x0  }
0x18f: {  	[sflag:s24] =	ssyncadd.s32 $0xFFFFF000  }
0x190: {  	_ =	swait.ge [sflag:s24], $0x1000  }
0x191: {  	[sflag:s24] =	ssyncset.done $0x0  }
0x192: {  	[sflag:s24] =	ssyncadd.s32 $0xFFFFF000  }
0x193: {  	_ =	swait.ge [sflag:s24], $0x1000  }
0x194: {  	[sflag:s24] =	ssyncset.done $0x0  }
0x195: {  	s29 =	rddreg [dreg:$0xc];
	[sflag:s24] =	ssyncadd.s32 $0xFFFFF000  }
0x196: {  	[hbm4b:s29+s2] =	stream.linear.scatter [tilespmem:s5], [sflag:$0x6], $0x8000, $0x38;
	[tilespmem:$0x10800] =	vst v63  }
0x197: {  	_ =	swait.ge [sflag:s23], $0x8000  }
0x198: {  	[sflag:s23] =	ssyncset.done $0x0  }
0x199: {  	[sflag:s23] =	ssyncadd.s32 $0xFFFF8000  }
0x19a: {  	_ =	swait.ge [sflag:s25], $0x8000  }
0x19b: {  	s30 =	rddreg [dreg:$0x10]  }
0x19c: {  	s31 =	rddreg [dreg:$0xd];
	s17 =	sadd.s32 $0x1, s30  }
0x19d: {  	s7 =	simm.s32 $0x3800;
	p0 =	sne.s32 s17, s31  }
.Ltmp1:
0x19e: {  	s4 =	simm.s32 $0x4800;
	s8 =	simm.s32 $0x1800;
	(pc) =	sbr.rel @p0 .LBB2_1-.Ltmp1, $4  }
0x19f: {  	s9 =	simm.s32 $0x100;
	s10 =	simm.s32 $0x2800;
	s11 =	simm.s32 $0x180  }
0x1a0: {  	s12 =	simm.s32 $0x200;
	s13 =	simm.s32 $0x5800;
	s14 =	simm.s32 $0x280  }
0x1a1: {  	s18 =	simm.s32 $0x300;
	s19 =	simm.s32 $0x6800;
	[sflag:s25] =	ssyncset.done $0x0  }
0x1a2: {  	s20 =	simm.s32 $0x380;
	s21 =	simm.s32 $0x7800;
	[sflag:s25] =	ssyncadd.s32 $0xFFFF8000  }
0x1a3: {  	_ =	sfence.sel $0x180000  }
0x1a4: {  	[bflag:$0x0] =	sbarrier.arrive $0xFFFF  }
0x1a5: {  	_ =	strace $0x90000047  }
0x1a6: {  	s0 =	stileid.u32;
	[bflag:$0x2] =	sbarrier.arrive $0xFFFF  }
0x1a7: {  	p0 =	sne.s32 s0, $0x0;
	s0 =	rddreg [dreg:$0x2]  }
0x1a8: {  	s0 =	sadd.s32 @!p0 $0x100000, s0  }
0x1a9: {  	[sflag:s0] =	ssyncadd.tile.s32 @!p0 $0x1;
	_ =	shalt  }
.Lfunc_end2:
_tile_overlayer_lowered:
.L_overlay_start_2:
0x1aa: {  	(tag) =	ssettag $0x2  }
0x1ab: {  	s0 =	rddreg [dreg:$0x0];
	s2 =	stileid.u32  }
0x1ac: {  	s1 =	rddreg [dreg:$0x1];
	p0 =	sne.s32 s2, $0x0  }
0x1ad: {  	s3 =	rddreg [dreg:$0x2];
	[bflag:$0x3] =	sbarrier.arrive $0xFFFF;
	s2 =	simm.s32 @!p0 $0x1C07  }
0x1ae: {  	[timem:s3], [sflag:s2] =	dma.local @!p0 [hbm:s0], s1  }
0x1af: {  	s0 =	simm.s32 @!p0 $0x7  }
0x1b0: {  	_ =	swait.ge @!p0 [sflag:s0], s1  }
0x1b1: {  	s1 =	ssub.s32 @!p0 $0x0, s1;
	[sflag:s0] =	ssyncset.done @!p0 $0x0  }
0x1b2: {  	[sflag:s0] =	ssyncadd.s32 @!p0 s1  }
0x1b3: {  	[bflag:$0x3] =	sbarrier.arrive $0xFFFF  }
0x1b4: {  	_ =	shalt  }

// kernel: sparse-core-data-format-call.cloned.1.call-start
scs
called_computation_lowered:
.L_overlay_start_0:
0x0: {  	s1 =	sld [smem:$0x3FD9]  }
0x1: {  	s2 =	sld [smem:$0x3FFE];
	_ =	sdelay $0x1  }
0x2: {  	s3 =	srdreg.scid  }
0x3: {  	s0 =	sand.u32 $0x1, s3  }
0x4: {  	s17 =	sshll.u32 s0, $0xA;
	s1 =	sadd.s32 s2, s1  }
0x5: {  	s1 =	sadd.s32 s1, s17  }
0x6: {  	[smem:$0x3FC6] =	sst s1  }
0x7: {  	_ = 	snop  }
0x8: {  	(tm) =	ssettm $0x1  }
0x9: {  	s18 =	sld [smem:$0x3FFB];
	_ =	sdelay $0x3  }
0xa: {  	_ =	strace s18  }
0xb: {  	s1 =	sld [smem:$0x3FFC];
	_ =	sdelay $0x3  }
0xc: {  	_ =	strace s1  }
0xd: {  	s1 =	sld [smem:$0x3FFD];
	_ =	sdelay $0x3  }
0xe: {  	_ =	strace s1  }
0xf: {  	_ =	strace $0x8FFFFFFF  }
0x10: {  	s19 =	sld [smem:$0x3FDB];
	_ =	sdelay $0x1  }
0x11: {  	s20 =	simm.s32 $_scs_section_size  }
0x12: {  	s4 =	simm.s32 $_size__tile_overlayer_lowered;
	s5 =	simm.s32 $_tile_overlayer_lowered  }
0x13: {  	s23 =	simm.s32 $0x1BFF;
	s22 =	sshll.u32 s5, $0x1;
	s1 =	sadd.s32 s20, s19  }
0x14: {  	s6 =	simm.s32 $0x0;
	s21 =	sshll.u32 s4, $0x1;
	s4 =	sadd.s32 s22, s1  }
0x15: {  	[timem:s6], [sflag:s23] =	dma.local [hbm:s4], s21  }
0x16: {  	_ =	swait.ge [sflag:s23], s21  }
0x17: {  	s2 =	ssub.s32 $0x0, s21;
	[sflag:s23] =	ssyncset.done $0x0  }
0x18: {  	[sflag:s23] =	ssyncadd.s32 s2;
	_ =	sdelay $0x1  }
0x19: {  	s24 =	simm.s32 $0x1B8B  }
0x1a: {  	_ =	swait.ge [sflag:s24], $0x1  }
0x1b: {  	[sflag:s24] =	ssyncset.done $0x0  }
0x1c: {  	s26 =	simm.s32 $0x1B8E;
	s25 =	sld [smem:$0x3FFE];
	[sflag:s24] =	ssyncadd.s32 $0xFFFFFFFF  }
0x1d: {  	s27 =	simm.s32 $execute0_lowered;
	[smem:$0x3FD2] =	sst s26  }
0x1e: {  	s4 =	sshll.u32 s27, $0x1;
	_ =	strace $0x80000049;
	[dreg:$0x1] =	wrdreg $0xFFFFFFFF  }
0x1f: {  	s28 =	simm.s32 $_size_execute0_lowered;
	s1 =	sadd.s32 s1, s4;
	[dreg:$0x0] =	wrdreg $0x0  }
0x20: {  	s4 =	sshll.u32 s28, $0x1;
	[dreg:$0x2] =	wrdreg s1  }
0x21: {  	[dreg:$0x3] =	wrdreg s4  }
0x22: {  	[dreg:$0x4] =	wrdreg $0xC0  }
0x23: {  	_ =	task [dreg:s6], $0x5FFFF  }
0x24: {  	[dreg:$0x1] =	wrdreg $0xFFFFFFFF  }
0x25: {  	[dreg:$0x0] =	wrdreg $0x60  }
0x26: {  	[dreg:$0x2] =	wrdreg s25  }
0x27: {  	[dreg:$0x3] =	wrdreg $0x9  }
0x28: {  	_ =	task.clear_ibuf [dreg:s6], $0x4FFFF;
	_ =	strace $0x90000049  }
0x29: {  	s29 =	simm.s32 $0x9;
	_ =	strace $0x8000004B  }
0x2a: {  	_ =	swait.ge [sflag:s29], $0x1  }
0x2b: {  	[sflag:s29] =	ssyncadd.s32 $0xFFFFFFFF  }
0x2c: {  	_ =	strace $0x9000004B  }
0x2d: {  	_ =	sfence  }
0x2e: {  	s30 =	sld [smem:$0x0];
	_ =	sdelay $0x2  }
0x2f: {  	s31 =	sshll.u32 s3, $0xD;
	s3 =	sshrl.u32 s3, $0x2  }
0x30: {  	s2 =	sand.u32 $0x4000, s31;
	s1 =	sadd.s32 s3, s30  }
0x31: {  	s0 =	sor.u32 s2, s0;
	s1 =	sshll.u32 s1, $0x11  }
0x32: {  	s0 =	sor.u32 s1, s0  }
0x33: {  	s0 =	sadd.s32 $0x8F2B, s0  }
0x34: {  	[sflag:s0] =	ssyncadd.remote.s32 $0x1  }
0x35: {  	_ =	sfence.sel $0xFFFF  }
0x36: {  	[dreg:$0x0] =	wrdreg $0xFFFFFFFF;
	(pc) =	sbr.abs _section_cstart, $3  }
0x37: {  	[dreg:$0x1] =	wrdreg $0xFFFFFFFF  }
0x38: {  	_ =	task.clear_ibuf [dreg:s6], $0x2FFFF;
	_ =	strace $0x9FFFFFFF  }
0x39: {  	(tm) =	ssettm $0x7FFFFFFF  }
tec
execute0_lowered:
.L_overlay_start_1:
0x0: {  	(tag) =	ssettag $0x1  }
0x1: {  	s0 =	srdreg.scid  }
0x2: {  	s1 =	sshll.u32 s0, $0x4  }
0x3: {  	s0 =	stileid.u32;
	s1 =	sand.u32 $0x10, s1  }
0x4: {  	s1 =	sor.u32 s0, s1  }
0x5: {  	s6 =	rddreg [dreg:$0x0];
	s7 =	simm.s32 $0x2;
	s2 =	sshll.u32 s1, $0x7  }
0x6: {  	s13 =	simm.s32 $0x0;
	s8 =	simm.s32 $0x320000;
	s1 =	ssub.s32 $0x4000, s2  }
0x7: {  	s12 =	simm.s32 $0x0;
	s9 =	simm.s32 $0x0;
	s3 =	sand.u32 $0xF80, s1  }
0x8: {  	s11 =	simm.s32 $0x0;
	p0 =	sne.s32 s3, $0x0;
	s3 =	simm.s32 $0x1  }
.Ltmp0:
0x9: {  	s4 =	sshrl.u32 s1, $0xC;
	s3 =	simm.s32 @!p0 $0x0;
	(pc) =	sbr.rel .LBB1_1-.Ltmp0, $4  }
0xa: {  	s5 =	sadd.s32 $0x800, s6;
	s1 =	rddreg [dreg:$0x1];
	s4 =	sadd.s32 s3, s4  }
0xb: {  	_ =	strace $0x8000004A;
	s3 =	simm.s32 $0x1;
	s4 =	smul.u32 $0xC8, s4  }
0xc: {  	s6 =	sadd.s32 $0x3200800, s6;
	s10 =	smov.u32 s2;
	[sflag:s3] =	ssyncpa.u1 $0x0  }
0xd: {  	p0 =	por $0x0, $0x0;
	[sflag:s7] =	ssyncpa.u1 $0x0;
	s7 =	sor.u32 $0x1, s4  }
.LBB1_4:
0xe: {  	s16 =	sshll.u32 s13, $0xE;
	s17 =	sshll.u32 s12, $0x3  }
0xf: {  	s16 =	sand.u32 $0xFFFE0000, s16;
	s18 =	sand.u32 $0xFFFFFC00, s17  }
0x10: {  	s16 =	sadd.s32 s18, s16  }
0x11: {  	s16 =	sshrl.u32 s16, $0xE  }
0x12: {  	s29 =	smulhi.u32 $0x147AE15, s16  }
0x13: {  	s19 =	sand.u32 $0x78, s12;
	s30 =	sshll.u32 s13, $0x7;
	s17 =	sand.u32 $0x3C00, s17  }
0x14: {  	s13 =	sand.u32 $0x380, s30;
	s17 =	sor.u32 s19, s17;
	s18 =	smul.u32 $0xC8, s29  }
0x15: {  	s13 =	sor.u32 s13, s17  }
0x16: {  	s31 =	sand.u32 $0x7, s12;
	s13 =	sshrl.u32 s13, $0x3;
	s16 =	ssub.s32 s16, s18  }
0x17: {  	s12 =	sshll.u32 s31, $0x12;
	s13 =	sadd.s32 s6, s13;
	s16 =	sshll.u32 s16, $0xB  }
0x18: {  	[tilespmem:s15+$0x0 ss:$0x81] =	vst.msk $0xffff, v0;
	s12 =	sor.u32 $0x80, s12;
	s13 =	sadd.s32 s16, s13  }
0x19: {  	[hbm4b:s13+s12] =	stream.strided.scatter [tilespmem:s14], [sflag:$0x2], $0x1000, s8, s12, $0x20;
	[tilespmem:$0x4040] =	vst v63  }
.LBB1_5:
0x1a: {  	s14 =	sadd.s32 $0x1, s9  }
0x1b: {  	s12 =	sadd.s32 $0x1000, s10;
	s16 =	smov.u32 s10;
	p2 =	sgt.s32 s14, $0xC7  }
0x1c: {  	s16 =	smov.u32 @p2 s12  }
0x1d: {  	s14 =	simm.s32 @p2 $0x0;
	p2 =	sgt.s32 s16, $0x3FFF  }
0x1e: {  	s16 =	smov.u32 @p2 s2;
	p2 =	sne.s32 s11, s7  }
.Ltmp1:
0x1f: {  	p1 =	slt.u32 s11, $0x2;
	(pc) =	sbr.rel @!p2 .LBB1_6-.Ltmp1, $4  }
0x20: {  	s15 =	simm.s32 @!p1 $0x2  }
0x21: {  	s13 =	smov.u32 s9;
	p0 =	por !p0, !p0;
	_ =	swait.ge @!p1 [sflag:s15], $0x1000  }
0x22: {  	s12 =	smov.u32 s10;
	[sflag:s15] =	ssyncset.done @!p1 $0x0;
	s9 =	smov.u32 s14  }
0x23: {  	s11 =	sadd.s32 $0x1, s11;
	[sflag:s15] =	ssyncadd.s32 @!p1 $0xFFFFF000;
	s10 =	smov.u32 s16  }
.LBB1_1:
0x24: {  	p1 =	sge.u32 s11, s4  }
0x25: {  	s14 =	sand.u32 @!p1 $0x1FFFFFF, s9  }
0x26: {  	s15 =	smulhi.u32 @!p1 $0x147AE15, s14;
	_ =	sdelay $0x1  }
0x27: {  	s15 =	smul.u32 @!p1 $0xC8, s15  }
0x28: {  	s16 =	sxor.u32 @!p1 $0xFFFFFFFF, s11;
	s17 =	smul.u32 @!p1 $0xC80, s10  }
0x29: {  	s31 =	sadd.s32 $0xFFFFFFFF, s11;
	s16 =	sshll.u32 @!p1 s16, $0xC;
	s14 =	ssub.s32 @!p1 s14, s15  }
0x2a: {  	s15 =	sand.u32 @!p1 $0x1000, s16;
	s16 =	sadd.s32 @!p1 s5, s17;
	s14 =	sshll.u32 @!p1 s14, $0x4  }
0x2b: {  	s17 =	simm.s32 @!p1 $0x6400;
	s14 =	sadd.s32 @!p1 s14, s16;
	s16 =	simm.s32 @!p1 $0x20  }
0x2c: {  	[tilespmem:s15], [sflag:$0x1] =	stream.strided.gather @!p1 [hbm4b:s14+s16], $0x1000, s17, s16, $0x38;
	[tilespmem:$0x4040] =	vst v63  }
0x2d: {  	p1 =	sge.u32 s31, s4  }
.Ltmp2:
0x2e: {  	_ = 	snop;
	(pc) =	sbr.rel @p1 .LBB1_5-.Ltmp2, $1  }
0x2f: {  	_ =	sdelay $0x3  }
0x30: {  	s14 =	simm.s32 $0x1  }
0x31: {  	_ =	swait.ge [sflag:s3], $0x1000;
	s14 =	simm.s32 @!p0 $0x0  }
0x32: {  	[sflag:s3] =	ssyncset.done $0x0;
	s15 =	sshll.u32 s14, $0xC  }
0x33: {  	[sflag:s3] =	ssyncadd.s32 $0xFFFFF000;
	s18 =	sor.u32 $0x10, s15  }
0x34: {  	s14 =	smul.u32 $0x4080, s14;
	v1 =	vld [tilespmem:s18+$0x0]  }
0x35: {  	s30 =	sand.u32 $0x1, s11;
	v0 =	vld [tilespmem:s18+$0xFFFFFFF0]  }
0x36: {  	s15 =	smul.u32 $0x4080, s30;
	s14 =	sshrl.u32 s14, $0x2  }
0x37: {  	s16 =	sor.u32 $0x2000, s14  }
0x38: {  	s31 =	sshrl.u32 s15, $0x2;
	s15 =	sadd.s32 $0x0, s16  }
0x39: {  	s17 =	simm.s32 $0x4;
	s18 =	sadd.s32 $0x20, s18;
	s14 =	sor.u32 $0x2000, s31;
	[tilespmem:s15+$0x810 ss:$0x81] =	vst.msk $0xffff, v1  }
.LBB1_3:
0x3a: {  	v1 =	vld [tilespmem:s18+$0x0];
	p1 =	sne.s32 s17, $0x1FC;
	[tilespmem:s15+$0x0 ss:$0x81] =	vst.msk $0xffff, v0;
	s15 =	smov.u32 s17;
	s17 =	sadd.s32 $0x4, s17  }
.Ltmp3:
0x3b: {  	v0 =	vld [tilespmem:s18+$0xFFFFFFF0];
	(pc) =	sbr.rel @p1 .LBB1_3-.Ltmp3, $4  }
0x3c: {  	_ = 	snop  }
0x3d: {  	s15 =	sshra.s32 s15, $0x2  }
0x3e: {  	s15 =	sadd.s32 s15, s16  }
0x3f: {  	s18 =	sadd.s32 $0x20, s18;
	[tilespmem:s15+$0x810 ss:$0x81] =	vst.msk $0xffff, v1  }
.Ltmp4:
0x40: {  	_ = 	snop;
	(pc) =	sbr.rel .LBB1_4-.Ltmp4, $1  }
0x41: {  	_ =	sdelay $0x3  }
.LBB1_6:
0x42: {  	_ =	sfence.sel $0x180000  }
0x43: {  	s2 =	simm.s32 $0x1;
	[bflag:$0x0] =	sbarrier.arrive $0xFFFF  }
0x44: {  	s31 =	simm.s32 $0x2;
	[sflag:s2] =	ssyncpa.u1 $0x1  }
0x45: {  	[sflag:s31] =	ssyncpa.u1 $0x1  }
0x46: {  	p0 =	sne.s32 s0, $0x0;
	_ =	strace $0x9000004A  }
0x47: {  	s0 =	sadd.s32 @!p0 $0x100000, s1;
	[bflag:$0x2] =	sbarrier.arrive $0xFFFF  }
0x48: {  	[sflag:s0] =	ssyncadd.tile.s32 @!p0 $0x1;
	_ =	shalt  }
.Lfunc_end1:
_tile_overlayer_lowered:
.L_overlay_start_2:
0x49: {  	(tag) =	ssettag $0x2  }
0x4a: {  	s0 =	rddreg [dreg:$0x0];
	s2 =	stileid.u32  }
0x4b: {  	s1 =	rddreg [dreg:$0x1];
	p0 =	sne.s32 s2, $0x0  }
0x4c: {  	s3 =	rddreg [dreg:$0x2];
	[bflag:$0x3] =	sbarrier.arrive $0xFFFF;
	s2 =	simm.s32 @!p0 $0x1C01  }
0x4d: {  	[timem:s3], [sflag:s2] =	dma.local @!p0 [hbm:s0], s1  }
0x4e: {  	s0 =	simm.s32 @!p0 $0x1  }
0x4f: {  	_ =	swait.ge @!p0 [sflag:s0], s1  }
0x50: {  	s1 =	ssub.s32 @!p0 $0x0, s1;
	[sflag:s0] =	ssyncset.done @!p0 $0x0  }
0x51: {  	[sflag:s0] =	ssyncadd.s32 @!p0 s1  }
0x52: {  	[bflag:$0x3] =	sbarrier.arrive $0xFFFF  }
0x53: {  	_ =	shalt  }

</sc_bundles>
